<compile_context>
chip_gen: v7x
topology: tpu7x:2x2x1
jax: 0.10.2.dev20260603
libtpu: 0.0.44.dev20260713+nightly
codegen_flags: <defaults>
</compile_context>

<pallas_src>
import functools

import jax
import jax.numpy as jnp
from jax import lax
from jax.experimental import pallas as pl
from jax.experimental.pallas import tpu as pltpu
from jax.experimental.pallas import tpu_sc as plsc

VOCAB = 100000
D = 128
TILE = 256
L = 16
TCB = 4096
NBUF = 4
S_TC = 17 * TCB


def _sc_matvec(weight, start):
    rows = VOCAB - start
    nt = -(-rows // TILE)
    info = plsc.get_sparse_core_info()
    nw = info.num_cores * info.num_subcores

    mesh = plsc.VectorSubcoreMesh(core_axis_name="c", subcore_axis_name="s")

    @functools.partial(
        pl.kernel,
        mesh=mesh,
        out_type=jax.ShapeDtypeStruct((rows,), jnp.float32),
        scratch_types=[
            pltpu.VMEM((2 * TILE, D), jnp.float32),
            pltpu.VMEM((2 * TILE,), jnp.float32),
            pltpu.SemaphoreType.DMA,
            pltpu.SemaphoreType.DMA,
        ],
        compiler_params=pltpu.CompilerParams(needs_layout_passes=False),
    )
    def k(w_hbm, out_hbm, wbuf, obuf, sem0, sem1):
        sems = (sem0, sem1)
        wid = lax.axis_index("s") * info.num_cores + lax.axis_index("c")
        lane = lax.iota(jnp.int32, L)
        lanef = lane.astype(jnp.float32)
        kvecs = [lanef + float(c * L) for c in range(D // L)]
        n_tiles = (nt - 1 - wid) // nw + 1

        def tile_base(i):
            return jnp.minimum((wid + nw * i) * TILE, rows - TILE)

        def in_copy(i, b, sem):
            return pltpu.make_async_copy(
                w_hbm.at[pl.ds(start + tile_base(i), TILE), :],
                wbuf.at[pl.ds(b * TILE, TILE), :],
                sem,
            )

        def compute(boff):
            def group_body(g, c2):
                row0 = boff + g * L

                def row_body(r, vec):
                    terms = [
                        wbuf[row0 + r, pl.ds(c * L, L)] * kvecs[c]
                        for c in range(D // L)
                    ]
                    while len(terms) > 1:
                        terms = [a + b2 for a, b2 in zip(terms[::2], terms[1::2])]
                    s = jnp.sum(terms[0])
                    return jnp.where(lane == r, s, vec)

                vec = lax.fori_loop(
                    0, L, row_body, jnp.zeros((L,), jnp.float32)
                )
                obuf[pl.ds(row0, L)] = vec
                return c2

            lax.fori_loop(0, TILE // L, group_body, 0)

        @pl.when(n_tiles > 0)
        def _():
            in_copy(0, 0, sem0).start()

        def body(i, carry):
            b = i % 2

            @pl.when((i + 1 < n_tiles) & (b == 0))
            def _():
                in_copy(i + 1, 1, sem1).start()

            @pl.when((i + 1 < n_tiles) & (b == 1))
            def _():
                in_copy(i + 1, 0, sem0).start()

            @pl.when(b == 0)
            def _():
                in_copy(i, 0, sem0).wait()

            @pl.when(b == 1)
            def _():
                in_copy(i, 1, sem1).wait()

            compute(b * TILE)
            pltpu.sync_copy(
                obuf.at[pl.ds(b * TILE, TILE)],
                out_hbm.at[pl.ds(tile_base(i), TILE)],
            )
            return carry

        lax.fori_loop(0, n_tiles, body, 0)

    return k(weight)


def _tc_matvec(weight, s_rows):
    steps = s_rows // TCB

    def body(w_hbm, o_ref, buf, sems):
        kv = lax.broadcasted_iota(jnp.int32, (1, D), 1).astype(jnp.float32)

        def chunk_copy(i, j):
            return pltpu.make_async_copy(
                w_hbm.at[pl.ds(i * TCB, TCB), :], buf.at[j], sems.at[j]
            )

        for j in range(min(NBUF, steps)):
            chunk_copy(j, j).start()

        def step(i, carry):
            j = i % NBUF
            chunk_copy(i, j).wait()
            res = lax.dot_general(
                kv,
                buf[j],
                (((1,), (1,)), ((), ())),
                preferred_element_type=jnp.float32,
            )
            o_ref[:, pl.ds(i * TCB, TCB)] = res

            @pl.when(i + NBUF < steps)
            def _():
                chunk_copy(i + NBUF, j).start()

            return carry

        lax.fori_loop(0, steps, step, 0)

    out = pl.pallas_call(
        body,
        in_specs=[pl.BlockSpec(memory_space=pltpu.HBM)],
        out_specs=pl.BlockSpec((1, s_rows), lambda: (0, 0)),
        out_shape=jax.ShapeDtypeStruct((1, s_rows), jnp.float32),
        scratch_shapes=[
            pltpu.VMEM((NBUF, TCB, D), jnp.float32),
            pltpu.SemaphoreType.DMA((NBUF,)),
        ],
    )(weight)
    return out.reshape(s_rows)


def kernel(x, weight):
    del x
    out_sc = _sc_matvec(weight, S_TC)
    out_tc = _tc_matvec(weight, S_TC)
    return jnp.concatenate([out_tc, out_sc])

# --- scband reference (transcript-rebuilt; emitter-appended) ---
"""Pipeline reference for scband-positional-embedding-17059610099846 (READ-ONLY COPY).

The authoritative reference and input builder live on the scoring server;
editing this copy changes nothing except your own understanding.
"""

import jax, jax.numpy as jnp
import numpy as np

NUM_EMBEDDINGS = 128
VOCAB_SIZE = 100000

def setup_inputs(seed: int = 0) -> dict:
    key = jax.random.key(seed)
    kx, = jax.random.split(key, 1)
    x = jax.random.normal(kx, (1024, 50, NUM_EMBEDDINGS), dtype=jnp.float32)
    # Parameter per __init__: self.weight = nn.Parameter(torch.ones(vocab_size, num_embeddings))
    weight = jnp.ones((VOCAB_SIZE, NUM_EMBEDDINGS), dtype=jnp.float32)
    return {"x": x, "weight": weight}

def reference(x, weight):
    # emb_type == 'absolute' branch
    seq_len = x.shape[2]
    _pos = jnp.arange(0, seq_len).astype(weight.dtype)
    # [seq_len] @ [num_embeddings, vocab_size] with seq_len == num_embeddings -> [vocab_size]
    return _pos @ weight.T

if __name__ == "__main__":
    import jax
    _d = setup_inputs()
    print(jax.jit(kernel)(*tuple(_d.values())))

</pallas_src>

<mosaic_0001>
#map = affine_map<(d0, d1) -> (0, 0)>
#map1 = affine_map<(d0, d1) -> (0)>
module attributes {stable_mosaic.version = 14 : i64} {
  func.func @k(%arg0: i32, %arg1: i32, %arg2: memref<100000x128xf32, #tpu.memory_space<hbm>>, %arg3: memref<30368xf32, #tpu.memory_space<hbm>>, %arg4: memref<512x128xf32, #tpu.memory_space<vmem>>, %arg5: memref<512xf32, #tpu.memory_space<vmem>>, %arg6: memref<!tpu.dma_semaphore, #tpu.memory_space<semaphore_mem>>, %arg7: memref<!tpu.dma_semaphore, #tpu.memory_space<semaphore_mem>>) attributes {dimension_semantics = [#tpu.dimension_semantics<core_parallel>, #tpu.dimension_semantics<subcore_parallel>], iteration_bounds = array<i64: 2, 16>, scalar_prefetch = 0 : i64, scratch_operands = 4 : i64, tpu.core_type = #tpu.core_type<sc_vector_subcore>, window_params = [{transform_indices = #map}, {transform_indices = #map1}]} {
    %mul3A = arith.constant 2 : i32
    %mul3A_0 = arith.muli %arg1, %mul3A : i32
    %add3A = arith.addi %mul3A_0, %arg0 : i32
    %iota3A = tpu.iota {dimensions = array<i32: 0>} : vector<16xi32>
    %convert_element_type3A = arith.sitofp %iota3A : vector<16xi32> to vector<16xf32>
    %add3A_1 = arith.constant 0.000000e+00 : f32
    %add3A_2 = vector.broadcast %add3A_1 : f32 to vector<16xf32>
    %add3A_3 = arith.addf %convert_element_type3A, %add3A_2 : vector<16xf32>
    %add3A_4 = arith.constant 1.600000e+01 : f32
    %add3A_5 = vector.broadcast %add3A_4 : f32 to vector<16xf32>
    %add3A_6 = arith.addf %convert_element_type3A, %add3A_5 : vector<16xf32>
    %add3A_7 = arith.constant 3.200000e+01 : f32
    %add3A_8 = vector.broadcast %add3A_7 : f32 to vector<16xf32>
    %add3A_9 = arith.addf %convert_element_type3A, %add3A_8 : vector<16xf32>
    %add3A_10 = arith.constant 4.800000e+01 : f32
    %add3A_11 = vector.broadcast %add3A_10 : f32 to vector<16xf32>
    %add3A_12 = arith.addf %convert_element_type3A, %add3A_11 : vector<16xf32>
    %add3A_13 = arith.constant 6.400000e+01 : f32
    %add3A_14 = vector.broadcast %add3A_13 : f32 to vector<16xf32>
    %add3A_15 = arith.addf %convert_element_type3A, %add3A_14 : vector<16xf32>
    %add3A_16 = arith.constant 8.000000e+01 : f32
    %add3A_17 = vector.broadcast %add3A_16 : f32 to vector<16xf32>
    %add3A_18 = arith.addf %convert_element_type3A, %add3A_17 : vector<16xf32>
    %add3A_19 = arith.constant 9.600000e+01 : f32
    %add3A_20 = vector.broadcast %add3A_19 : f32 to vector<16xf32>
    %add3A_21 = arith.addf %convert_element_type3A, %add3A_20 : vector<16xf32>
    %add3A_22 = arith.constant 1.120000e+02 : f32
    %add3A_23 = vector.broadcast %add3A_22 : f32 to vector<16xf32>
    %add3A_24 = arith.addf %convert_element_type3A, %add3A_23 : vector<16xf32>
    %sub3A = arith.constant 118 : i32
    %sub3A_25 = arith.subi %sub3A, %add3A : i32
    %jit3A = arith.constant 32 : i32
    %div3A = arith.divsi %sub3A_25, %jit3A : i32
    %sign3A = arith.constant 0 : i32
    %sign3A_26 = arith.cmpi sgt, %sub3A_25, %sign3A : i32
    %sign3A_27 = arith.extui %sign3A_26 : i1 to i32
    %sign3A_28 = arith.constant 0 : i32
    %sign3A_29 = arith.cmpi slt, %sub3A_25, %sign3A_28 : i32
    %sign3A_30 = arith.extui %sign3A_29 : i1 to i32
    %sign3A_31 = arith.subi %sign3A_27, %sign3A_30 : i32
    %sign3A_32 = arith.constant 0 : i32
    %sign3A_33 = arith.cmpi sgt, %jit3A, %sign3A_32 : i32
    %sign3A_34 = arith.extui %sign3A_33 : i1 to i32
    %sign3A_35 = arith.constant 0 : i32
    %sign3A_36 = arith.cmpi slt, %jit3A, %sign3A_35 : i32
    %sign3A_37 = arith.extui %sign3A_36 : i1 to i32
    %sign3A_38 = arith.subi %sign3A_34, %sign3A_37 : i32
    %ne3A = arith.cmpi ne, %sign3A_31, %sign3A_38 : i32
    %rem3A = arith.remsi %sub3A_25, %jit3A : i32
    %ne3A_39 = arith.constant 0 : i32
    %ne3A_40 = arith.cmpi ne, %rem3A, %ne3A_39 : i32
    %and3A = arith.andi %ne3A, %ne3A_40 : i1
    %sub3A_41 = arith.constant 1 : i32
    %sub3A_42 = arith.subi %div3A, %sub3A_41 : i32
    %select_n3A = arith.select %and3A, %sub3A_42, %div3A : i32
    %add3A_43 = arith.constant 1 : i32
    %add3A_44 = arith.addi %select_n3A, %add3A_43 : i32
    %gt3A = arith.constant 0 : i32
    %gt3A_45 = arith.cmpi sgt, %add3A_44, %gt3A : i32
    %convert_element_type3A_46 = arith.extui %gt3A_45 : i1 to i32
    %cond3A = arith.constant 0 : i32
    %cond3A_47 = arith.cmpi ne, %convert_element_type3A_46, %cond3A : i32
    scf.if %cond3A_47 {
      %add3A_57 = arith.constant 0 : i32
      %add3A_58 = arith.addi %add3A, %add3A_57 : i32
      %mul3A_59 = arith.constant 256 : i32
      %mul3A_60 = arith.muli %add3A_58, %mul3A_59 : i32
      %min3A = arith.constant 30112 : i32
      %min3A_61 = arith.minsi %mul3A_60, %min3A : i32
      %add3A_62 = arith.constant 69632 : i32
      %add3A_63 = arith.addi %add3A_62, %min3A_61 : i32
      %dma_start3A = arith.constant 0 : i32
      %dma_start3A_64 = arith.constant 0 : i32
      %dma_start3A_65 = tpu.memref_slice %arg4[%dma_start3A, %dma_start3A_64] : memref<512x128xf32, #tpu.memory_space<vmem>> -> memref<256x128xf32, #tpu.memory_space<vmem>>
      %dma_start3A_66 = arith.constant 0 : i32
      %dma_start3A_67 = tpu.memref_slice %arg2[%add3A_63, %dma_start3A_66] : memref<100000x128xf32, #tpu.memory_space<hbm>> -> memref<256x128xf32, #tpu.memory_space<hbm>>
      %dma_start3A_68 = arith.constant 0 : i32
      %dma_start3A_69 = arith.constant 0 : i32
      %dma_start3A_70 = tpu.memref_slice %arg4[%dma_start3A_68, %dma_start3A_69] : memref<512x128xf32, #tpu.memory_space<vmem>> -> memref<256x128xf32, #tpu.memory_space<vmem>>
      %dma_start3A_71 = arith.constant 0 : i32
      %dma_start3A_72 = tpu.memref_slice %arg2[%add3A_63, %dma_start3A_71] : memref<100000x128xf32, #tpu.memory_space<hbm>> -> memref<256x128xf32, #tpu.memory_space<hbm>>
      tpu.enqueue_dma source(%dma_start3A_72 : memref<256x128xf32, #tpu.memory_space<hbm>>) target(%dma_start3A_70 : memref<256x128xf32, #tpu.memory_space<vmem>>) target_semaphore(%arg6 : memref<!tpu.dma_semaphore, #tpu.memory_space<semaphore_mem>>)
    } else {
    }
    %while3A = arith.constant 0 : i32
    %while3A_48 = arith.constant 0 : i32
    %while3A_49 = arith.subi %add3A_44, %while3A_48 : i32
    %while3A_50 = arith.addi %while3A_48, %while3A_49 : i32
    %while3A_51 = arith.constant 1 : i32
    %while3A_52 = arith.divsi %while3A_49, %while3A_51 : i32
    %while3A_53 = arith.muli %while3A_52, %while3A_51 : i32
    %while3A_54 = arith.addi %while3A_48, %while3A_53 : i32
    %while3A_55 = arith.constant 1 : i32
    scf.for %while3A_57 = %while3A_48 to %while3A_54 step %while3A_55  : i32 {
      %jit3A_58 = arith.constant 2 : i32
      %eq3A = arith.constant 0 : i32
      %eq3A_59 = arith.cmpi eq, %jit3A_58, %eq3A : i32
      %jit3A_60 = arith.constant 1 : i32
      %select_n3A_61 = arith.select %eq3A_59, %jit3A_60, %jit3A_58 : i32
      %rem3A_62 = arith.remsi %while3A_57, %select_n3A_61 : i32
      %ne3A_63 = arith.constant 0 : i32
      %ne3A_64 = arith.cmpi ne, %rem3A_62, %ne3A_63 : i32
      %lt3A = arith.constant 0 : i32
      %lt3A_65 = arith.cmpi slt, %rem3A_62, %lt3A : i32
      %lt3A_66 = arith.constant 0 : i32
      %lt3A_67 = arith.cmpi slt, %select_n3A_61, %lt3A_66 : i32
      %ne3A_68 = arith.xori %lt3A_65, %lt3A_67 : i1
      %and3A_69 = arith.andi %ne3A_68, %ne3A_64 : i1
      %add3A_70 = arith.addi %rem3A_62, %select_n3A_61 : i32
      %select_n3A_71 = arith.select %and3A_69, %add3A_70, %rem3A_62 : i32
      %add3A_72 = arith.constant 1 : i32
      %add3A_73 = arith.addi %while3A_57, %add3A_72 : i32
      %lt3A_74 = arith.cmpi slt, %add3A_73, %add3A_44 : i32
      %eq3A_75 = arith.constant 0 : i32
      %eq3A_76 = arith.cmpi eq, %select_n3A_71, %eq3A_75 : i32
      %and3A_77 = arith.andi %lt3A_74, %eq3A_76 : i1
      %convert_element_type3A_78 = arith.extui %and3A_77 : i1 to i32
      %cond3A_79 = arith.constant 0 : i32
      %cond3A_80 = arith.cmpi ne, %convert_element_type3A_78, %cond3A_79 : i32
      scf.if %cond3A_80 {
        %add3A_115 = arith.constant 1 : i32
        %add3A_116 = arith.addi %while3A_57, %add3A_115 : i32
        %mul3A_117 = arith.constant 32 : i32
        %mul3A_118 = arith.muli %mul3A_117, %add3A_116 : i32
        %add3A_119 = arith.addi %add3A, %mul3A_118 : i32
        %mul3A_120 = arith.constant 256 : i32
        %mul3A_121 = arith.muli %add3A_119, %mul3A_120 : i32
        %min3A_122 = arith.constant 30112 : i32
        %min3A_123 = arith.minsi %mul3A_121, %min3A_122 : i32
        %add3A_124 = arith.constant 69632 : i32
        %add3A_125 = arith.addi %add3A_124, %min3A_123 : i32
        %dma_start3A = arith.constant 256 : i32
        %dma_start3A_126 = arith.constant 0 : i32
        %dma_start3A_127 = tpu.memref_slice %arg4[%dma_start3A, %dma_start3A_126] : memref<512x128xf32, #tpu.memory_space<vmem>> -> memref<256x128xf32, #tpu.memory_space<vmem>>
        %dma_start3A_128 = arith.constant 0 : i32
        %dma_start3A_129 = tpu.memref_slice %arg2[%add3A_125, %dma_start3A_128] : memref<100000x128xf32, #tpu.memory_space<hbm>> -> memref<256x128xf32, #tpu.memory_space<hbm>>
        %dma_start3A_130 = arith.constant 256 : i32
        %dma_start3A_131 = arith.constant 0 : i32
        %dma_start3A_132 = tpu.memref_slice %arg4[%dma_start3A_130, %dma_start3A_131] : memref<512x128xf32, #tpu.memory_space<vmem>> -> memref<256x128xf32, #tpu.memory_space<vmem>>
        %dma_start3A_133 = arith.constant 0 : i32
        %dma_start3A_134 = tpu.memref_slice %arg2[%add3A_125, %dma_start3A_133] : memref<100000x128xf32, #tpu.memory_space<hbm>> -> memref<256x128xf32, #tpu.memory_space<hbm>>
        tpu.enqueue_dma source(%dma_start3A_134 : memref<256x128xf32, #tpu.memory_space<hbm>>) target(%dma_start3A_132 : memref<256x128xf32, #tpu.memory_space<vmem>>) target_semaphore(%arg7 : memref<!tpu.dma_semaphore, #tpu.memory_space<semaphore_mem>>)
      } else {
      }
      %add3A_81 = arith.constant 1 : i32
      %add3A_82 = arith.addi %while3A_57, %add3A_81 : i32
      %lt3A_83 = arith.cmpi slt, %add3A_82, %add3A_44 : i32
      %eq3A_84 = arith.constant 1 : i32
      %eq3A_85 = arith.cmpi eq, %select_n3A_71, %eq3A_84 : i32
      %and3A_86 = arith.andi %lt3A_83, %eq3A_85 : i1
      %convert_element_type3A_87 = arith.extui %and3A_86 : i1 to i32
      %cond3A_88 = arith.constant 0 : i32
      %cond3A_89 = arith.cmpi ne, %convert_element_type3A_87, %cond3A_88 : i32
      scf.if %cond3A_89 {
        %add3A_115 = arith.constant 1 : i32
        %add3A_116 = arith.addi %while3A_57, %add3A_115 : i32
        %mul3A_117 = arith.constant 32 : i32
        %mul3A_118 = arith.muli %mul3A_117, %add3A_116 : i32
        %add3A_119 = arith.addi %add3A, %mul3A_118 : i32
        %mul3A_120 = arith.constant 256 : i32
        %mul3A_121 = arith.muli %add3A_119, %mul3A_120 : i32
        %min3A_122 = arith.constant 30112 : i32
        %min3A_123 = arith.minsi %mul3A_121, %min3A_122 : i32
        %add3A_124 = arith.constant 69632 : i32
        %add3A_125 = arith.addi %add3A_124, %min3A_123 : i32
        %dma_start3A = arith.constant 0 : i32
        %dma_start3A_126 = arith.constant 0 : i32
        %dma_start3A_127 = tpu.memref_slice %arg4[%dma_start3A, %dma_start3A_126] : memref<512x128xf32, #tpu.memory_space<vmem>> -> memref<256x128xf32, #tpu.memory_space<vmem>>
        %dma_start3A_128 = arith.constant 0 : i32
        %dma_start3A_129 = tpu.memref_slice %arg2[%add3A_125, %dma_start3A_128] : memref<100000x128xf32, #tpu.memory_space<hbm>> -> memref<256x128xf32, #tpu.memory_space<hbm>>
        %dma_start3A_130 = arith.constant 0 : i32
        %dma_start3A_131 = arith.constant 0 : i32
        %dma_start3A_132 = tpu.memref_slice %arg4[%dma_start3A_130, %dma_start3A_131] : memref<512x128xf32, #tpu.memory_space<vmem>> -> memref<256x128xf32, #tpu.memory_space<vmem>>
        %dma_start3A_133 = arith.constant 0 : i32
        %dma_start3A_134 = tpu.memref_slice %arg2[%add3A_125, %dma_start3A_133] : memref<100000x128xf32, #tpu.memory_space<hbm>> -> memref<256x128xf32, #tpu.memory_space<hbm>>
        tpu.enqueue_dma source(%dma_start3A_134 : memref<256x128xf32, #tpu.memory_space<hbm>>) target(%dma_start3A_132 : memref<256x128xf32, #tpu.memory_space<vmem>>) target_semaphore(%arg6 : memref<!tpu.dma_semaphore, #tpu.memory_space<semaphore_mem>>)
      } else {
      }
      %eq3A_90 = arith.constant 0 : i32
      %eq3A_91 = arith.cmpi eq, %select_n3A_71, %eq3A_90 : i32
      %convert_element_type3A_92 = arith.extui %eq3A_91 : i1 to i32
      %cond3A_93 = arith.constant 0 : i32
      %cond3A_94 = arith.cmpi ne, %convert_element_type3A_92, %cond3A_93 : i32
      scf.if %cond3A_94 {
        %mul3A_115 = arith.constant 32 : i32
        %mul3A_116 = arith.muli %mul3A_115, %while3A_57 : i32
        %add3A_117 = arith.addi %add3A, %mul3A_116 : i32
        %mul3A_118 = arith.constant 256 : i32
        %mul3A_119 = arith.muli %add3A_117, %mul3A_118 : i32
        %min3A_120 = arith.constant 30112 : i32
        %min3A_121 = arith.minsi %mul3A_119, %min3A_120 : i32
        %add3A_122 = arith.constant 69632 : i32
        %add3A_123 = arith.addi %add3A_122, %min3A_121 : i32
        %dma_wait3A = arith.constant 0 : i32
        %dma_wait3A_124 = arith.constant 0 : i32
        %dma_wait3A_125 = tpu.memref_slice %arg4[%dma_wait3A, %dma_wait3A_124] : memref<512x128xf32, #tpu.memory_space<vmem>> -> memref<256x128xf32, #tpu.memory_space<vmem>>
        %dma_wait3A_126 = arith.constant 0 : i32
        %dma_wait3A_127 = tpu.memref_slice %arg2[%add3A_123, %dma_wait3A_126] : memref<100000x128xf32, #tpu.memory_space<hbm>> -> memref<256x128xf32, #tpu.memory_space<hbm>>
        %dma_wait3A_128 = arith.constant 0 : i32
        %dma_wait3A_129 = arith.constant 0 : i32
        %dma_wait3A_130 = tpu.memref_slice %arg4[%dma_wait3A_128, %dma_wait3A_129] : memref<512x128xf32, #tpu.memory_space<vmem>> -> memref<256x128xf32, #tpu.memory_space<vmem>>
        %dma_wait3A_131 = arith.constant 0 : i32
        %dma_wait3A_132 = tpu.memref_slice %arg2[%add3A_123, %dma_wait3A_131] : memref<100000x128xf32, #tpu.memory_space<hbm>> -> memref<256x128xf32, #tpu.memory_space<hbm>>
        tpu.wait_dma2 semaphore(%arg6 : memref<!tpu.dma_semaphore, #tpu.memory_space<semaphore_mem>>) src(%dma_wait3A_132 : memref<256x128xf32, #tpu.memory_space<hbm>>) dst(%dma_wait3A_130 : memref<256x128xf32, #tpu.memory_space<vmem>>)
      } else {
      }
      %eq3A_95 = arith.constant 1 : i32
      %eq3A_96 = arith.cmpi eq, %select_n3A_71, %eq3A_95 : i32
      %convert_element_type3A_97 = arith.extui %eq3A_96 : i1 to i32
      %cond3A_98 = arith.constant 0 : i32
      %cond3A_99 = arith.cmpi ne, %convert_element_type3A_97, %cond3A_98 : i32
      scf.if %cond3A_99 {
        %mul3A_115 = arith.constant 32 : i32
        %mul3A_116 = arith.muli %mul3A_115, %while3A_57 : i32
        %add3A_117 = arith.addi %add3A, %mul3A_116 : i32
        %mul3A_118 = arith.constant 256 : i32
        %mul3A_119 = arith.muli %add3A_117, %mul3A_118 : i32
        %min3A_120 = arith.constant 30112 : i32
        %min3A_121 = arith.minsi %mul3A_119, %min3A_120 : i32
        %add3A_122 = arith.constant 69632 : i32
        %add3A_123 = arith.addi %add3A_122, %min3A_121 : i32
        %dma_wait3A = arith.constant 256 : i32
        %dma_wait3A_124 = arith.constant 0 : i32
        %dma_wait3A_125 = tpu.memref_slice %arg4[%dma_wait3A, %dma_wait3A_124] : memref<512x128xf32, #tpu.memory_space<vmem>> -> memref<256x128xf32, #tpu.memory_space<vmem>>
        %dma_wait3A_126 = arith.constant 0 : i32
        %dma_wait3A_127 = tpu.memref_slice %arg2[%add3A_123, %dma_wait3A_126] : memref<100000x128xf32, #tpu.memory_space<hbm>> -> memref<256x128xf32, #tpu.memory_space<hbm>>
        %dma_wait3A_128 = arith.constant 256 : i32
        %dma_wait3A_129 = arith.constant 0 : i32
        %dma_wait3A_130 = tpu.memref_slice %arg4[%dma_wait3A_128, %dma_wait3A_129] : memref<512x128xf32, #tpu.memory_space<vmem>> -> memref<256x128xf32, #tpu.memory_space<vmem>>
        %dma_wait3A_131 = arith.constant 0 : i32
        %dma_wait3A_132 = tpu.memref_slice %arg2[%add3A_123, %dma_wait3A_131] : memref<100000x128xf32, #tpu.memory_space<hbm>> -> memref<256x128xf32, #tpu.memory_space<hbm>>
        tpu.wait_dma2 semaphore(%arg7 : memref<!tpu.dma_semaphore, #tpu.memory_space<semaphore_mem>>) src(%dma_wait3A_132 : memref<256x128xf32, #tpu.memory_space<hbm>>) dst(%dma_wait3A_130 : memref<256x128xf32, #tpu.memory_space<vmem>>)
      } else {
      }
      %mul3A_100 = arith.constant 256 : i32
      %mul3A_101 = arith.muli %select_n3A_71, %mul3A_100 : i32
      %scan3A = arith.constant 0 : i32
      %scan3A_102 = arith.constant 0 : i32
      %scan3A_103 = arith.constant 16 : i32
      %scan3A_104 = arith.addi %scan3A_102, %scan3A_103 : i32
      %scan3A_105 = arith.constant 1 : i32
      scf.for %scan3A_115 = %scan3A_102 to %scan3A_104 step %scan3A_105  : i32 {
        %mul3A_116 = arith.constant 16 : i32
        %mul3A_117 = arith.muli %scan3A_115, %mul3A_116 : i32
        %add3A_118 = arith.addi %mul3A_101, %mul3A_117 : i32
        %broadcast_in_dim3A = arith.constant 0.000000e+00 : f32
        %broadcast_in_dim3A_119 = vector.broadcast %broadcast_in_dim3A : f32 to vector<16xf32>
        %scan3A_120 = arith.constant 0 : i32
        %scan3A_121 = arith.constant 16 : i32
        %scan3A_122 = arith.addi %scan3A_120, %scan3A_121 : i32
        %scan3A_123 = arith.constant 1 : i32
        %scan3A_124 = scf.for %scan3A_127 = %scan3A_120 to %scan3A_122 step %scan3A_123 iter_args(%scan3A_128 = %broadcast_in_dim3A_119) -> (vector<16xf32>)  : i32 {
          %add3A_129 = arith.addi %add3A_118, %scan3A_127 : i32
          %get3A = arith.index_cast %add3A_129 : i32 to index
          %get3A_130 = arith.constant 0 : index
          %get3A_131 = tpu.vector_load %arg4[%get3A, %get3A_130] {strides = array<i32>} : memref<512x128xf32, #tpu.memory_space<vmem>>, vector<16xf32>,
          %mul3A_132 = arith.mulf %get3A_131, %add3A_3 : vector<16xf32>
          %add3A_133 = arith.addi %add3A_118, %scan3A_127 : i32
          %get3A_134 = arith.index_cast %add3A_133 : i32 to index
          %get3A_135 = arith.constant 16 : index
          %get3A_136 = tpu.vector_load %arg4[%get3A_134, %get3A_135] {strides = array<i32>} : memref<512x128xf32, #tpu.memory_space<vmem>>, vector<16xf32>,
          %mul3A_137 = arith.mulf %get3A_136, %add3A_6 : vector<16xf32>
          %add3A_138 = arith.addi %add3A_118, %scan3A_127 : i32
          %get3A_139 = arith.index_cast %add3A_138 : i32 to index
          %get3A_140 = arith.constant 32 : index
          %get3A_141 = tpu.vector_load %arg4[%get3A_139, %get3A_140] {strides = array<i32>} : memref<512x128xf32, #tpu.memory_space<vmem>>, vector<16xf32>,
          %mul3A_142 = arith.mulf %get3A_141, %add3A_9 : vector<16xf32>
          %add3A_143 = arith.addi %add3A_118, %scan3A_127 : i32
          %get3A_144 = arith.index_cast %add3A_143 : i32 to index
          %get3A_145 = arith.constant 48 : index
          %get3A_146 = tpu.vector_load %arg4[%get3A_144, %get3A_145] {strides = array<i32>} : memref<512x128xf32, #tpu.memory_space<vmem>>, vector<16xf32>,
          %mul3A_147 = arith.mulf %get3A_146, %add3A_12 : vector<16xf32>
          %add3A_148 = arith.addi %add3A_118, %scan3A_127 : i32
          %get3A_149 = arith.index_cast %add3A_148 : i32 to index
          %get3A_150 = arith.constant 64 : index
          %get3A_151 = tpu.vector_load %arg4[%get3A_149, %get3A_150] {strides = array<i32>} : memref<512x128xf32, #tpu.memory_space<vmem>>, vector<16xf32>,
          %mul3A_152 = arith.mulf %get3A_151, %add3A_15 : vector<16xf32>
          %add3A_153 = arith.addi %add3A_118, %scan3A_127 : i32
          %get3A_154 = arith.index_cast %add3A_153 : i32 to index
          %get3A_155 = arith.constant 80 : index
          %get3A_156 = tpu.vector_load %arg4[%get3A_154, %get3A_155] {strides = array<i32>} : memref<512x128xf32, #tpu.memory_space<vmem>>, vector<16xf32>,
          %mul3A_157 = arith.mulf %get3A_156, %add3A_18 : vector<16xf32>
          %add3A_158 = arith.addi %add3A_118, %scan3A_127 : i32
          %get3A_159 = arith.index_cast %add3A_158 : i32 to index
          %get3A_160 = arith.constant 96 : index
          %get3A_161 = tpu.vector_load %arg4[%get3A_159, %get3A_160] {strides = array<i32>} : memref<512x128xf32, #tpu.memory_space<vmem>>, vector<16xf32>,
          %mul3A_162 = arith.mulf %get3A_161, %add3A_21 : vector<16xf32>
          %add3A_163 = arith.addi %add3A_118, %scan3A_127 : i32
          %get3A_164 = arith.index_cast %add3A_163 : i32 to index
          %get3A_165 = arith.constant 112 : index
          %get3A_166 = tpu.vector_load %arg4[%get3A_164, %get3A_165] {strides = array<i32>} : memref<512x128xf32, #tpu.memory_space<vmem>>, vector<16xf32>,
          %mul3A_167 = arith.mulf %get3A_166, %add3A_24 : vector<16xf32>
          %add3A_168 = arith.addf %mul3A_132, %mul3A_137 : vector<16xf32>
          %add3A_169 = arith.addf %mul3A_142, %mul3A_147 : vector<16xf32>
          %add3A_170 = arith.addf %mul3A_152, %mul3A_157 : vector<16xf32>
          %add3A_171 = arith.addf %mul3A_162, %mul3A_167 : vector<16xf32>
          %add3A_172 = arith.addf %add3A_168, %add3A_169 : vector<16xf32>
          %add3A_173 = arith.addf %add3A_170, %add3A_171 : vector<16xf32>
          %add3A_174 = arith.addf %add3A_172, %add3A_173 : vector<16xf32>
          %reduce_sum3A = arith.constant true
          %reduce_sum3A_175 = vector.broadcast %reduce_sum3A : i1 to vector<16xi1>
          %reduce_sum3A_176 = tpu.scan <sum>, %add3A_174 masked %reduce_sum3A_175 : vector<16xf32>, vector<16xi1> -> vector<16xf32>
          %reduce_sum3A_177 = vector.extract %reduce_sum3A_176[15] : f32 from vector<16xf32>
          %eq3A_178 = vector.broadcast %scan3A_127 : i32 to vector<16xi32>
          %eq3A_179 = arith.cmpi eq, %iota3A, %eq3A_178 : vector<16xi32>
          %broadcast_in_dim3A_180 = vector.broadcast %reduce_sum3A_177 : f32 to vector<16xf32>
          %select_n3A_181 = arith.select %eq3A_179, %broadcast_in_dim3A_180, %scan3A_128 : vector<16xi1>, vector<16xf32>
          scf.yield %select_n3A_181 : vector<16xf32>
        }
        %scan3A_125 = arith.constant 16 : i32
        %swap3A = arith.index_cast %add3A_118 : i32 to index
        %swap3A_126 = tpu.vector_load %arg5[%swap3A] {strides = array<i32>} : memref<512xf32, #tpu.memory_space<vmem>>, vector<16xf32>,
        tpu.vector_store %arg5[%swap3A], %scan3A_124 {strides = array<i32>} : memref<512xf32, #tpu.memory_space<vmem>>, vector<16xf32>,
      }
      %scan3A_106 = arith.constant 16 : i32
      %mul3A_107 = arith.constant 256 : i32
      %mul3A_108 = arith.muli %select_n3A_71, %mul3A_107 : i32
      %mul3A_109 = arith.constant 32 : i32
      %mul3A_110 = arith.muli %mul3A_109, %while3A_57 : i32
      %add3A_111 = arith.addi %add3A, %mul3A_110 : i32
      %mul3A_112 = arith.constant 256 : i32
      %mul3A_113 = arith.muli %add3A_111, %mul3A_112 : i32
      %min3A = arith.constant 30112 : i32
      %min3A_114 = arith.minsi %mul3A_113, %min3A : i32
      "tpu.region"() ({
        %run_scoped3A = tpu.sem_alloc : memref<!tpu.dma_semaphore, #tpu.memory_space<semaphore_mem>>
        %dma_start3A = tpu.memref_slice %arg5[%mul3A_108] : memref<512xf32, #tpu.memory_space<vmem>> -> memref<256xf32, #tpu.memory_space<vmem>>
        %dma_start3A_115 = tpu.memref_slice %arg3[%min3A_114] : memref<30368xf32, #tpu.memory_space<hbm>> -> memref<256xf32, #tpu.memory_space<hbm>>
        %dma_start3A_116 = tpu.memref_slice %arg3[%min3A_114] : memref<30368xf32, #tpu.memory_space<hbm>> -> memref<256xf32, #tpu.memory_space<hbm>>
        %dma_start3A_117 = tpu.memref_slice %arg5[%mul3A_108] : memref<512xf32, #tpu.memory_space<vmem>> -> memref<256xf32, #tpu.memory_space<vmem>>
        tpu.enqueue_dma source(%dma_start3A_117 : memref<256xf32, #tpu.memory_space<vmem>>) target(%dma_start3A_116 : memref<256xf32, #tpu.memory_space<hbm>>) target_semaphore(%run_scoped3A : memref<!tpu.dma_semaphore, #tpu.memory_space<semaphore_mem>>)
        %dma_wait3A = tpu.memref_slice %arg5[%mul3A_108] : memref<512xf32, #tpu.memory_space<vmem>> -> memref<256xf32, #tpu.memory_space<vmem>>
        %dma_wait3A_118 = tpu.memref_slice %arg3[%min3A_114] : memref<30368xf32, #tpu.memory_space<hbm>> -> memref<256xf32, #tpu.memory_space<hbm>>
        %dma_wait3A_119 = tpu.memref_slice %arg3[%min3A_114] : memref<30368xf32, #tpu.memory_space<hbm>> -> memref<256xf32, #tpu.memory_space<hbm>>
        %dma_wait3A_120 = tpu.memref_slice %arg5[%mul3A_108] : memref<512xf32, #tpu.memory_space<vmem>> -> memref<256xf32, #tpu.memory_space<vmem>>
        tpu.wait_dma2 semaphore(%run_scoped3A : memref<!tpu.dma_semaphore, #tpu.memory_space<semaphore_mem>>) src(%dma_wait3A_120 : memref<256xf32, #tpu.memory_space<vmem>>) dst(%dma_wait3A_119 : memref<256xf32, #tpu.memory_space<hbm>>)
        tpu.yield
      }) : () -> ()
    }
    %while3A_56 = arith.constant 1 : i32
    scf.for %while3A_57 = %while3A_54 to %while3A_50 step %while3A_56  : i32 {
      %jit3A_58 = arith.constant 2 : i32
      %eq3A = arith.constant 0 : i32
      %eq3A_59 = arith.cmpi eq, %jit3A_58, %eq3A : i32
      %jit3A_60 = arith.constant 1 : i32
      %select_n3A_61 = arith.select %eq3A_59, %jit3A_60, %jit3A_58 : i32
      %rem3A_62 = arith.remsi %while3A_57, %select_n3A_61 : i32
      %ne3A_63 = arith.constant 0 : i32
      %ne3A_64 = arith.cmpi ne, %rem3A_62, %ne3A_63 : i32
      %lt3A = arith.constant 0 : i32
      %lt3A_65 = arith.cmpi slt, %rem3A_62, %lt3A : i32
      %lt3A_66 = arith.constant 0 : i32
      %lt3A_67 = arith.cmpi slt, %select_n3A_61, %lt3A_66 : i32
      %ne3A_68 = arith.xori %lt3A_65, %lt3A_67 : i1
      %and3A_69 = arith.andi %ne3A_68, %ne3A_64 : i1
      %add3A_70 = arith.addi %rem3A_62, %select_n3A_61 : i32
      %select_n3A_71 = arith.select %and3A_69, %add3A_70, %rem3A_62 : i32
      %add3A_72 = arith.constant 1 : i32
      %add3A_73 = arith.addi %while3A_57, %add3A_72 : i32
      %lt3A_74 = arith.cmpi slt, %add3A_73, %add3A_44 : i32
      %eq3A_75 = arith.constant 0 : i32
      %eq3A_76 = arith.cmpi eq, %select_n3A_71, %eq3A_75 : i32
      %and3A_77 = arith.andi %lt3A_74, %eq3A_76 : i1
      %convert_element_type3A_78 = arith.extui %and3A_77 : i1 to i32
      %cond3A_79 = arith.constant 0 : i32
      %cond3A_80 = arith.cmpi ne, %convert_element_type3A_78, %cond3A_79 : i32
      scf.if %cond3A_80 {
        %add3A_115 = arith.constant 1 : i32
        %add3A_116 = arith.addi %while3A_57, %add3A_115 : i32
        %mul3A_117 = arith.constant 32 : i32
        %mul3A_118 = arith.muli %mul3A_117, %add3A_116 : i32
        %add3A_119 = arith.addi %add3A, %mul3A_118 : i32
        %mul3A_120 = arith.constant 256 : i32
        %mul3A_121 = arith.muli %add3A_119, %mul3A_120 : i32
        %min3A_122 = arith.constant 30112 : i32
        %min3A_123 = arith.minsi %mul3A_121, %min3A_122 : i32
        %add3A_124 = arith.constant 69632 : i32
        %add3A_125 = arith.addi %add3A_124, %min3A_123 : i32
        %dma_start3A = arith.constant 256 : i32
        %dma_start3A_126 = arith.constant 0 : i32
        %dma_start3A_127 = tpu.memref_slice %arg4[%dma_start3A, %dma_start3A_126] : memref<512x128xf32, #tpu.memory_space<vmem>> -> memref<256x128xf32, #tpu.memory_space<vmem>>
        %dma_start3A_128 = arith.constant 0 : i32
        %dma_start3A_129 = tpu.memref_slice %arg2[%add3A_125, %dma_start3A_128] : memref<100000x128xf32, #tpu.memory_space<hbm>> -> memref<256x128xf32, #tpu.memory_space<hbm>>
        %dma_start3A_130 = arith.constant 256 : i32
        %dma_start3A_131 = arith.constant 0 : i32
        %dma_start3A_132 = tpu.memref_slice %arg4[%dma_start3A_130, %dma_start3A_131] : memref<512x128xf32, #tpu.memory_space<vmem>> -> memref<256x128xf32, #tpu.memory_space<vmem>>
        %dma_start3A_133 = arith.constant 0 : i32
        %dma_start3A_134 = tpu.memref_slice %arg2[%add3A_125, %dma_start3A_133] : memref<100000x128xf32, #tpu.memory_space<hbm>> -> memref<256x128xf32, #tpu.memory_space<hbm>>
        tpu.enqueue_dma source(%dma_start3A_134 : memref<256x128xf32, #tpu.memory_space<hbm>>) target(%dma_start3A_132 : memref<256x128xf32, #tpu.memory_space<vmem>>) target_semaphore(%arg7 : memref<!tpu.dma_semaphore, #tpu.memory_space<semaphore_mem>>)
      } else {
      }
      %add3A_81 = arith.constant 1 : i32
      %add3A_82 = arith.addi %while3A_57, %add3A_81 : i32
      %lt3A_83 = arith.cmpi slt, %add3A_82, %add3A_44 : i32
      %eq3A_84 = arith.constant 1 : i32
      %eq3A_85 = arith.cmpi eq, %select_n3A_71, %eq3A_84 : i32
      %and3A_86 = arith.andi %lt3A_83, %eq3A_85 : i1
      %convert_element_type3A_87 = arith.extui %and3A_86 : i1 to i32
      %cond3A_88 = arith.constant 0 : i32
      %cond3A_89 = arith.cmpi ne, %convert_element_type3A_87, %cond3A_88 : i32
      scf.if %cond3A_89 {
        %add3A_115 = arith.constant 1 : i32
        %add3A_116 = arith.addi %while3A_57, %add3A_115 : i32
        %mul3A_117 = arith.constant 32 : i32
        %mul3A_118 = arith.muli %mul3A_117, %add3A_116 : i32
        %add3A_119 = arith.addi %add3A, %mul3A_118 : i32
        %mul3A_120 = arith.constant 256 : i32
        %mul3A_121 = arith.muli %add3A_119, %mul3A_120 : i32
        %min3A_122 = arith.constant 30112 : i32
        %min3A_123 = arith.minsi %mul3A_121, %min3A_122 : i32
        %add3A_124 = arith.constant 69632 : i32
        %add3A_125 = arith.addi %add3A_124, %min3A_123 : i32
        %dma_start3A = arith.constant 0 : i32
        %dma_start3A_126 = arith.constant 0 : i32
        %dma_start3A_127 = tpu.memref_slice %arg4[%dma_start3A, %dma_start3A_126] : memref<512x128xf32, #tpu.memory_space<vmem>> -> memref<256x128xf32, #tpu.memory_space<vmem>>
        %dma_start3A_128 = arith.constant 0 : i32
        %dma_start3A_129 = tpu.memref_slice %arg2[%add3A_125, %dma_start3A_128] : memref<100000x128xf32, #tpu.memory_space<hbm>> -> memref<256x128xf32, #tpu.memory_space<hbm>>
        %dma_start3A_130 = arith.constant 0 : i32
        %dma_start3A_131 = arith.constant 0 : i32
        %dma_start3A_132 = tpu.memref_slice %arg4[%dma_start3A_130, %dma_start3A_131] : memref<512x128xf32, #tpu.memory_space<vmem>> -> memref<256x128xf32, #tpu.memory_space<vmem>>
        %dma_start3A_133 = arith.constant 0 : i32
        %dma_start3A_134 = tpu.memref_slice %arg2[%add3A_125, %dma_start3A_133] : memref<100000x128xf32, #tpu.memory_space<hbm>> -> memref<256x128xf32, #tpu.memory_space<hbm>>
        tpu.enqueue_dma source(%dma_start3A_134 : memref<256x128xf32, #tpu.memory_space<hbm>>) target(%dma_start3A_132 : memref<256x128xf32, #tpu.memory_space<vmem>>) target_semaphore(%arg6 : memref<!tpu.dma_semaphore, #tpu.memory_space<semaphore_mem>>)
      } else {
      }
      %eq3A_90 = arith.constant 0 : i32
      %eq3A_91 = arith.cmpi eq, %select_n3A_71, %eq3A_90 : i32
      %convert_element_type3A_92 = arith.extui %eq3A_91 : i1 to i32
      %cond3A_93 = arith.constant 0 : i32
      %cond3A_94 = arith.cmpi ne, %convert_element_type3A_92, %cond3A_93 : i32
      scf.if %cond3A_94 {
        %mul3A_115 = arith.constant 32 : i32
        %mul3A_116 = arith.muli %mul3A_115, %while3A_57 : i32
        %add3A_117 = arith.addi %add3A, %mul3A_116 : i32
        %mul3A_118 = arith.constant 256 : i32
        %mul3A_119 = arith.muli %add3A_117, %mul3A_118 : i32
        %min3A_120 = arith.constant 30112 : i32
        %min3A_121 = arith.minsi %mul3A_119, %min3A_120 : i32
        %add3A_122 = arith.constant 69632 : i32
        %add3A_123 = arith.addi %add3A_122, %min3A_121 : i32
        %dma_wait3A = arith.constant 0 : i32
        %dma_wait3A_124 = arith.constant 0 : i32
        %dma_wait3A_125 = tpu.memref_slice %arg4[%dma_wait3A, %dma_wait3A_124] : memref<512x128xf32, #tpu.memory_space<vmem>> -> memref<256x128xf32, #tpu.memory_space<vmem>>
        %dma_wait3A_126 = arith.constant 0 : i32
        %dma_wait3A_127 = tpu.memref_slice %arg2[%add3A_123, %dma_wait3A_126] : memref<100000x128xf32, #tpu.memory_space<hbm>> -> memref<256x128xf32, #tpu.memory_space<hbm>>
        %dma_wait3A_128 = arith.constant 0 : i32
        %dma_wait3A_129 = arith.constant 0 : i32
        %dma_wait3A_130 = tpu.memref_slice %arg4[%dma_wait3A_128, %dma_wait3A_129] : memref<512x128xf32, #tpu.memory_space<vmem>> -> memref<256x128xf32, #tpu.memory_space<vmem>>
        %dma_wait3A_131 = arith.constant 0 : i32
        %dma_wait3A_132 = tpu.memref_slice %arg2[%add3A_123, %dma_wait3A_131] : memref<100000x128xf32, #tpu.memory_space<hbm>> -> memref<256x128xf32, #tpu.memory_space<hbm>>
        tpu.wait_dma2 semaphore(%arg6 : memref<!tpu.dma_semaphore, #tpu.memory_space<semaphore_mem>>) src(%dma_wait3A_132 : memref<256x128xf32, #tpu.memory_space<hbm>>) dst(%dma_wait3A_130 : memref<256x128xf32, #tpu.memory_space<vmem>>)
      } else {
      }
      %eq3A_95 = arith.constant 1 : i32
      %eq3A_96 = arith.cmpi eq, %select_n3A_71, %eq3A_95 : i32
      %convert_element_type3A_97 = arith.extui %eq3A_96 : i1 to i32
      %cond3A_98 = arith.constant 0 : i32
      %cond3A_99 = arith.cmpi ne, %convert_element_type3A_97, %cond3A_98 : i32
      scf.if %cond3A_99 {
        %mul3A_115 = arith.constant 32 : i32
        %mul3A_116 = arith.muli %mul3A_115, %while3A_57 : i32
        %add3A_117 = arith.addi %add3A, %mul3A_116 : i32
        %mul3A_118 = arith.constant 256 : i32
        %mul3A_119 = arith.muli %add3A_117, %mul3A_118 : i32
        %min3A_120 = arith.constant 30112 : i32
        %min3A_121 = arith.minsi %mul3A_119, %min3A_120 : i32
        %add3A_122 = arith.constant 69632 : i32
        %add3A_123 = arith.addi %add3A_122, %min3A_121 : i32
        %dma_wait3A = arith.constant 256 : i32
        %dma_wait3A_124 = arith.constant 0 : i32
        %dma_wait3A_125 = tpu.memref_slice %arg4[%dma_wait3A, %dma_wait3A_124] : memref<512x128xf32, #tpu.memory_space<vmem>> -> memref<256x128xf32, #tpu.memory_space<vmem>>
        %dma_wait3A_126 = arith.constant 0 : i32
        %dma_wait3A_127 = tpu.memref_slice %arg2[%add3A_123, %dma_wait3A_126] : memref<100000x128xf32, #tpu.memory_space<hbm>> -> memref<256x128xf32, #tpu.memory_space<hbm>>
        %dma_wait3A_128 = arith.constant 256 : i32
        %dma_wait3A_129 = arith.constant 0 : i32
        %dma_wait3A_130 = tpu.memref_slice %arg4[%dma_wait3A_128, %dma_wait3A_129] : memref<512x128xf32, #tpu.memory_space<vmem>> -> memref<256x128xf32, #tpu.memory_space<vmem>>
        %dma_wait3A_131 = arith.constant 0 : i32
        %dma_wait3A_132 = tpu.memref_slice %arg2[%add3A_123, %dma_wait3A_131] : memref<100000x128xf32, #tpu.memory_space<hbm>> -> memref<256x128xf32, #tpu.memory_space<hbm>>
        tpu.wait_dma2 semaphore(%arg7 : memref<!tpu.dma_semaphore, #tpu.memory_space<semaphore_mem>>) src(%dma_wait3A_132 : memref<256x128xf32, #tpu.memory_space<hbm>>) dst(%dma_wait3A_130 : memref<256x128xf32, #tpu.memory_space<vmem>>)
      } else {
      }
      %mul3A_100 = arith.constant 256 : i32
      %mul3A_101 = arith.muli %select_n3A_71, %mul3A_100 : i32
      %scan3A = arith.constant 0 : i32
      %scan3A_102 = arith.constant 0 : i32
      %scan3A_103 = arith.constant 16 : i32
      %scan3A_104 = arith.addi %scan3A_102, %scan3A_103 : i32
      %scan3A_105 = arith.constant 1 : i32
      scf.for %scan3A_115 = %scan3A_102 to %scan3A_104 step %scan3A_105  : i32 {
        %mul3A_116 = arith.constant 16 : i32
        %mul3A_117 = arith.muli %scan3A_115, %mul3A_116 : i32
        %add3A_118 = arith.addi %mul3A_101, %mul3A_117 : i32
        %broadcast_in_dim3A = arith.constant 0.000000e+00 : f32
        %broadcast_in_dim3A_119 = vector.broadcast %broadcast_in_dim3A : f32 to vector<16xf32>
        %scan3A_120 = arith.constant 0 : i32
        %scan3A_121 = arith.constant 16 : i32
        %scan3A_122 = arith.addi %scan3A_120, %scan3A_121 : i32
        %scan3A_123 = arith.constant 1 : i32
        %scan3A_124 = scf.for %scan3A_127 = %scan3A_120 to %scan3A_122 step %scan3A_123 iter_args(%scan3A_128 = %broadcast_in_dim3A_119) -> (vector<16xf32>)  : i32 {
          %add3A_129 = arith.addi %add3A_118, %scan3A_127 : i32
          %get3A = arith.index_cast %add3A_129 : i32 to index
          %get3A_130 = arith.constant 0 : index
          %get3A_131 = tpu.vector_load %arg4[%get3A, %get3A_130] {strides = array<i32>} : memref<512x128xf32, #tpu.memory_space<vmem>>, vector<16xf32>,
          %mul3A_132 = arith.mulf %get3A_131, %add3A_3 : vector<16xf32>
          %add3A_133 = arith.addi %add3A_118, %scan3A_127 : i32
          %get3A_134 = arith.index_cast %add3A_133 : i32 to index
          %get3A_135 = arith.constant 16 : index
          %get3A_136 = tpu.vector_load %arg4[%get3A_134, %get3A_135] {strides = array<i32>} : memref<512x128xf32, #tpu.memory_space<vmem>>, vector<16xf32>,
          %mul3A_137 = arith.mulf %get3A_136, %add3A_6 : vector<16xf32>
          %add3A_138 = arith.addi %add3A_118, %scan3A_127 : i32
          %get3A_139 = arith.index_cast %add3A_138 : i32 to index
          %get3A_140 = arith.constant 32 : index
          %get3A_141 = tpu.vector_load %arg4[%get3A_139, %get3A_140] {strides = array<i32>} : memref<512x128xf32, #tpu.memory_space<vmem>>, vector<16xf32>,
          %mul3A_142 = arith.mulf %get3A_141, %add3A_9 : vector<16xf32>
          %add3A_143 = arith.addi %add3A_118, %scan3A_127 : i32
          %get3A_144 = arith.index_cast %add3A_143 : i32 to index
          %get3A_145 = arith.constant 48 : index
          %get3A_146 = tpu.vector_load %arg4[%get3A_144, %get3A_145] {strides = array<i32>} : memref<512x128xf32, #tpu.memory_space<vmem>>, vector<16xf32>,
          %mul3A_147 = arith.mulf %get3A_146, %add3A_12 : vector<16xf32>
          %add3A_148 = arith.addi %add3A_118, %scan3A_127 : i32
          %get3A_149 = arith.index_cast %add3A_148 : i32 to index
          %get3A_150 = arith.constant 64 : index
          %get3A_151 = tpu.vector_load %arg4[%get3A_149, %get3A_150] {strides = array<i32>} : memref<512x128xf32, #tpu.memory_space<vmem>>, vector<16xf32>,
          %mul3A_152 = arith.mulf %get3A_151, %add3A_15 : vector<16xf32>
          %add3A_153 = arith.addi %add3A_118, %scan3A_127 : i32
          %get3A_154 = arith.index_cast %add3A_153 : i32 to index
          %get3A_155 = arith.constant 80 : index
          %get3A_156 = tpu.vector_load %arg4[%get3A_154, %get3A_155] {strides = array<i32>} : memref<512x128xf32, #tpu.memory_space<vmem>>, vector<16xf32>,
          %mul3A_157 = arith.mulf %get3A_156, %add3A_18 : vector<16xf32>
          %add3A_158 = arith.addi %add3A_118, %scan3A_127 : i32
          %get3A_159 = arith.index_cast %add3A_158 : i32 to index
          %get3A_160 = arith.constant 96 : index
          %get3A_161 = tpu.vector_load %arg4[%get3A_159, %get3A_160] {strides = array<i32>} : memref<512x128xf32, #tpu.memory_space<vmem>>, vector<16xf32>,
          %mul3A_162 = arith.mulf %get3A_161, %add3A_21 : vector<16xf32>
          %add3A_163 = arith.addi %add3A_118, %scan3A_127 : i32
          %get3A_164 = arith.index_cast %add3A_163 : i32 to index
          %get3A_165 = arith.constant 112 : index
          %get3A_166 = tpu.vector_load %arg4[%get3A_164, %get3A_165] {strides = array<i32>} : memref<512x128xf32, #tpu.memory_space<vmem>>, vector<16xf32>,
          %mul3A_167 = arith.mulf %get3A_166, %add3A_24 : vector<16xf32>
          %add3A_168 = arith.addf %mul3A_132, %mul3A_137 : vector<16xf32>
          %add3A_169 = arith.addf %mul3A_142, %mul3A_147 : vector<16xf32>
          %add3A_170 = arith.addf %mul3A_152, %mul3A_157 : vector<16xf32>
          %add3A_171 = arith.addf %mul3A_162, %mul3A_167 : vector<16xf32>
          %add3A_172 = arith.addf %add3A_168, %add3A_169 : vector<16xf32>
          %add3A_173 = arith.addf %add3A_170, %add3A_171 : vector<16xf32>
          %add3A_174 = arith.addf %add3A_172, %add3A_173 : vector<16xf32>
          %reduce_sum3A = arith.constant true
          %reduce_sum3A_175 = vector.broadcast %reduce_sum3A : i1 to vector<16xi1>
          %reduce_sum3A_176 = tpu.scan <sum>, %add3A_174 masked %reduce_sum3A_175 : vector<16xf32>, vector<16xi1> -> vector<16xf32>
          %reduce_sum3A_177 = vector.extract %reduce_sum3A_176[15] : f32 from vector<16xf32>
          %eq3A_178 = vector.broadcast %scan3A_127 : i32 to vector<16xi32>
          %eq3A_179 = arith.cmpi eq, %iota3A, %eq3A_178 : vector<16xi32>
          %broadcast_in_dim3A_180 = vector.broadcast %reduce_sum3A_177 : f32 to vector<16xf32>
          %select_n3A_181 = arith.select %eq3A_179, %broadcast_in_dim3A_180, %scan3A_128 : vector<16xi1>, vector<16xf32>
          scf.yield %select_n3A_181 : vector<16xf32>
        }
        %scan3A_125 = arith.constant 16 : i32
        %swap3A = arith.index_cast %add3A_118 : i32 to index
        %swap3A_126 = tpu.vector_load %arg5[%swap3A] {strides = array<i32>} : memref<512xf32, #tpu.memory_space<vmem>>, vector<16xf32>,
        tpu.vector_store %arg5[%swap3A], %scan3A_124 {strides = array<i32>} : memref<512xf32, #tpu.memory_space<vmem>>, vector<16xf32>,
      }
      %scan3A_106 = arith.constant 16 : i32
      %mul3A_107 = arith.constant 256 : i32
      %mul3A_108 = arith.muli %select_n3A_71, %mul3A_107 : i32
      %mul3A_109 = arith.constant 32 : i32
      %mul3A_110 = arith.muli %mul3A_109, %while3A_57 : i32
      %add3A_111 = arith.addi %add3A, %mul3A_110 : i32
      %mul3A_112 = arith.constant 256 : i32
      %mul3A_113 = arith.muli %add3A_111, %mul3A_112 : i32
      %min3A = arith.constant 30112 : i32
      %min3A_114 = arith.minsi %mul3A_113, %min3A : i32
      "tpu.region"() ({
        %run_scoped3A = tpu.sem_alloc : memref<!tpu.dma_semaphore, #tpu.memory_space<semaphore_mem>>
        %dma_start3A = tpu.memref_slice %arg5[%mul3A_108] : memref<512xf32, #tpu.memory_space<vmem>> -> memref<256xf32, #tpu.memory_space<vmem>>
        %dma_start3A_115 = tpu.memref_slice %arg3[%min3A_114] : memref<30368xf32, #tpu.memory_space<hbm>> -> memref<256xf32, #tpu.memory_space<hbm>>
        %dma_start3A_116 = tpu.memref_slice %arg3[%min3A_114] : memref<30368xf32, #tpu.memory_space<hbm>> -> memref<256xf32, #tpu.memory_space<hbm>>
        %dma_start3A_117 = tpu.memref_slice %arg5[%mul3A_108] : memref<512xf32, #tpu.memory_space<vmem>> -> memref<256xf32, #tpu.memory_space<vmem>>
        tpu.enqueue_dma source(%dma_start3A_117 : memref<256xf32, #tpu.memory_space<vmem>>) target(%dma_start3A_116 : memref<256xf32, #tpu.memory_space<hbm>>) target_semaphore(%run_scoped3A : memref<!tpu.dma_semaphore, #tpu.memory_space<semaphore_mem>>)
        %dma_wait3A = tpu.memref_slice %arg5[%mul3A_108] : memref<512xf32, #tpu.memory_space<vmem>> -> memref<256xf32, #tpu.memory_space<vmem>>
        %dma_wait3A_118 = tpu.memref_slice %arg3[%min3A_114] : memref<30368xf32, #tpu.memory_space<hbm>> -> memref<256xf32, #tpu.memory_space<hbm>>
        %dma_wait3A_119 = tpu.memref_slice %arg3[%min3A_114] : memref<30368xf32, #tpu.memory_space<hbm>> -> memref<256xf32, #tpu.memory_space<hbm>>
        %dma_wait3A_120 = tpu.memref_slice %arg5[%mul3A_108] : memref<512xf32, #tpu.memory_space<vmem>> -> memref<256xf32, #tpu.memory_space<vmem>>
        tpu.wait_dma2 semaphore(%run_scoped3A : memref<!tpu.dma_semaphore, #tpu.memory_space<semaphore_mem>>) src(%dma_wait3A_120 : memref<256xf32, #tpu.memory_space<vmem>>) dst(%dma_wait3A_119 : memref<256xf32, #tpu.memory_space<hbm>>)
        tpu.yield
      }) : () -> ()
    }
    return
  }
}

module attributes {stable_mosaic.version = 14 : i64} {
  func.func @body(%arg0: memref<100000x128xf32, #tpu.memory_space<hbm>>, %arg1: memref<1x69632xf32, #tpu.memory_space<vmem>>, %arg2: memref<4x4096x128xf32, #tpu.memory_space<vmem>>, %arg3: memref<4x!tpu.dma_semaphore, #tpu.memory_space<semaphore_mem>>) attributes {dimension_semantics = [], scalar_prefetch = 0 : i64, scratch_operands = 2 : i64, tpu.core_type = #tpu.core_type<tc>} {
    %iota3A = tpu.iota {dimensions = array<i32: 1>} : vector<1x128xi32>
    %convert_element_type3A = arith.sitofp %iota3A : vector<1x128xi32> to vector<1x128xf32>
    %dma_start3A = arith.constant 0 : i32
    %dma_start3A_0 = arith.constant 0 : i32
    %dma_start3A_1 = tpu.memref_slice %arg3[%dma_start3A_0] : memref<4x!tpu.dma_semaphore, #tpu.memory_space<semaphore_mem>> -> memref<1x!tpu.dma_semaphore, #tpu.memory_space<semaphore_mem>>
    %dma_start3A_2 = tpu.memref_squeeze %dma_start3A_1 : memref<1x!tpu.dma_semaphore, #tpu.memory_space<semaphore_mem>> -> memref<!tpu.dma_semaphore, #tpu.memory_space<semaphore_mem>>
    %dma_start3A_3 = arith.constant 0 : i32
    %dma_start3A_4 = arith.constant 0 : i32
    %dma_start3A_5 = tpu.memref_slice %arg2[%dma_start3A, %dma_start3A_3, %dma_start3A_4] : memref<4x4096x128xf32, #tpu.memory_space<vmem>> -> memref<1x4096x128xf32, #tpu.memory_space<vmem>>
    %dma_start3A_6 = tpu.memref_squeeze %dma_start3A_5 : memref<1x4096x128xf32, #tpu.memory_space<vmem>> -> memref<4096x128xf32, #tpu.memory_space<vmem>>
    %dma_start3A_7 = arith.constant 0 : i32
    %dma_start3A_8 = arith.constant 0 : i32
    %dma_start3A_9 = tpu.memref_slice %arg0[%dma_start3A_7, %dma_start3A_8] : memref<100000x128xf32, #tpu.memory_space<hbm>> -> memref<4096x128xf32, #tpu.memory_space<hbm>>
    tpu.enqueue_dma source(%dma_start3A_9 : memref<4096x128xf32, #tpu.memory_space<hbm>>) target(%dma_start3A_6 : memref<4096x128xf32, #tpu.memory_space<vmem>>) target_semaphore(%dma_start3A_2 : memref<!tpu.dma_semaphore, #tpu.memory_space<semaphore_mem>>)
    %dma_start3A_10 = arith.constant 1 : i32
    %dma_start3A_11 = arith.constant 1 : i32
    %dma_start3A_12 = tpu.memref_slice %arg3[%dma_start3A_11] : memref<4x!tpu.dma_semaphore, #tpu.memory_space<semaphore_mem>> -> memref<1x!tpu.dma_semaphore, #tpu.memory_space<semaphore_mem>>
    %dma_start3A_13 = tpu.memref_squeeze %dma_start3A_12 : memref<1x!tpu.dma_semaphore, #tpu.memory_space<semaphore_mem>> -> memref<!tpu.dma_semaphore, #tpu.memory_space<semaphore_mem>>
    %dma_start3A_14 = arith.constant 0 : i32
    %dma_start3A_15 = arith.constant 0 : i32
    %dma_start3A_16 = tpu.memref_slice %arg2[%dma_start3A_10, %dma_start3A_14, %dma_start3A_15] : memref<4x4096x128xf32, #tpu.memory_space<vmem>> -> memref<1x4096x128xf32, #tpu.memory_space<vmem>>
    %dma_start3A_17 = tpu.memref_squeeze %dma_start3A_16 : memref<1x4096x128xf32, #tpu.memory_space<vmem>> -> memref<4096x128xf32, #tpu.memory_space<vmem>>
    %dma_start3A_18 = arith.constant 4096 : i32
    %dma_start3A_19 = arith.constant 0 : i32
    %dma_start3A_20 = tpu.memref_slice %arg0[%dma_start3A_18, %dma_start3A_19] : memref<100000x128xf32, #tpu.memory_space<hbm>> -> memref<4096x128xf32, #tpu.memory_space<hbm>>
    tpu.enqueue_dma source(%dma_start3A_20 : memref<4096x128xf32, #tpu.memory_space<hbm>>) target(%dma_start3A_17 : memref<4096x128xf32, #tpu.memory_space<vmem>>) target_semaphore(%dma_start3A_13 : memref<!tpu.dma_semaphore, #tpu.memory_space<semaphore_mem>>)
    %dma_start3A_21 = arith.constant 2 : i32
    %dma_start3A_22 = arith.constant 2 : i32
    %dma_start3A_23 = tpu.memref_slice %arg3[%dma_start3A_22] : memref<4x!tpu.dma_semaphore, #tpu.memory_space<semaphore_mem>> -> memref<1x!tpu.dma_semaphore, #tpu.memory_space<semaphore_mem>>
    %dma_start3A_24 = tpu.memref_squeeze %dma_start3A_23 : memref<1x!tpu.dma_semaphore, #tpu.memory_space<semaphore_mem>> -> memref<!tpu.dma_semaphore, #tpu.memory_space<semaphore_mem>>
    %dma_start3A_25 = arith.constant 0 : i32
    %dma_start3A_26 = arith.constant 0 : i32
    %dma_start3A_27 = tpu.memref_slice %arg2[%dma_start3A_21, %dma_start3A_25, %dma_start3A_26] : memref<4x4096x128xf32, #tpu.memory_space<vmem>> -> memref<1x4096x128xf32, #tpu.memory_space<vmem>>
    %dma_start3A_28 = tpu.memref_squeeze %dma_start3A_27 : memref<1x4096x128xf32, #tpu.memory_space<vmem>> -> memref<4096x128xf32, #tpu.memory_space<vmem>>
    %dma_start3A_29 = arith.constant 8192 : i32
    %dma_start3A_30 = arith.constant 0 : i32
    %dma_start3A_31 = tpu.memref_slice %arg0[%dma_start3A_29, %dma_start3A_30] : memref<100000x128xf32, #tpu.memory_space<hbm>> -> memref<4096x128xf32, #tpu.memory_space<hbm>>
    tpu.enqueue_dma source(%dma_start3A_31 : memref<4096x128xf32, #tpu.memory_space<hbm>>) target(%dma_start3A_28 : memref<4096x128xf32, #tpu.memory_space<vmem>>) target_semaphore(%dma_start3A_24 : memref<!tpu.dma_semaphore, #tpu.memory_space<semaphore_mem>>)
    %dma_start3A_32 = arith.constant 3 : i32
    %dma_start3A_33 = arith.constant 3 : i32
    %dma_start3A_34 = tpu.memref_slice %arg3[%dma_start3A_33] : memref<4x!tpu.dma_semaphore, #tpu.memory_space<semaphore_mem>> -> memref<1x!tpu.dma_semaphore, #tpu.memory_space<semaphore_mem>>
    %dma_start3A_35 = tpu.memref_squeeze %dma_start3A_34 : memref<1x!tpu.dma_semaphore, #tpu.memory_space<semaphore_mem>> -> memref<!tpu.dma_semaphore, #tpu.memory_space<semaphore_mem>>
    %dma_start3A_36 = arith.constant 0 : i32
    %dma_start3A_37 = arith.constant 0 : i32
    %dma_start3A_38 = tpu.memref_slice %arg2[%dma_start3A_32, %dma_start3A_36, %dma_start3A_37] : memref<4x4096x128xf32, #tpu.memory_space<vmem>> -> memref<1x4096x128xf32, #tpu.memory_space<vmem>>
    %dma_start3A_39 = tpu.memref_squeeze %dma_start3A_38 : memref<1x4096x128xf32, #tpu.memory_space<vmem>> -> memref<4096x128xf32, #tpu.memory_space<vmem>>
    %dma_start3A_40 = arith.constant 12288 : i32
    %dma_start3A_41 = arith.constant 0 : i32
    %dma_start3A_42 = tpu.memref_slice %arg0[%dma_start3A_40, %dma_start3A_41] : memref<100000x128xf32, #tpu.memory_space<hbm>> -> memref<4096x128xf32, #tpu.memory_space<hbm>>
    tpu.enqueue_dma source(%dma_start3A_42 : memref<4096x128xf32, #tpu.memory_space<hbm>>) target(%dma_start3A_39 : memref<4096x128xf32, #tpu.memory_space<vmem>>) target_semaphore(%dma_start3A_35 : memref<!tpu.dma_semaphore, #tpu.memory_space<semaphore_mem>>)
    %scan3A = arith.constant 0 : i32
    %scan3A_43 = arith.constant 17 : i32
    %scan3A_44 = arith.addi %scan3A, %scan3A_43 : i32
    %scan3A_45 = arith.constant 1 : i32
    scf.for %scan3A_47 = %scan3A to %scan3A_44 step %scan3A_45  : i32 {
      %jit3A = arith.constant 4 : i32
      %eq3A = arith.constant 0 : i32
      %eq3A_48 = arith.cmpi eq, %jit3A, %eq3A : i32
      %jit3A_49 = arith.constant 1 : i32
      %select_n3A = arith.select %eq3A_48, %jit3A_49, %jit3A : i32
      %rem3A = arith.remsi %scan3A_47, %select_n3A : i32
      %ne3A = arith.constant 0 : i32
      %ne3A_50 = arith.cmpi ne, %rem3A, %ne3A : i32
      %lt3A = arith.constant 0 : i32
      %lt3A_51 = arith.cmpi slt, %rem3A, %lt3A : i32
      %lt3A_52 = arith.constant 0 : i32
      %lt3A_53 = arith.cmpi slt, %select_n3A, %lt3A_52 : i32
      %ne3A_54 = arith.xori %lt3A_51, %lt3A_53 : i1
      %and3A = arith.andi %ne3A_54, %ne3A_50 : i1
      %add3A = arith.addi %rem3A, %select_n3A : i32
      %select_n3A_55 = arith.select %and3A, %add3A, %rem3A : i32
      %mul3A = arith.constant 4096 : i32
      %mul3A_56 = arith.muli %scan3A_47, %mul3A : i32
      %dma_wait3A = tpu.memref_slice %arg3[%select_n3A_55] : memref<4x!tpu.dma_semaphore, #tpu.memory_space<semaphore_mem>> -> memref<1x!tpu.dma_semaphore, #tpu.memory_space<semaphore_mem>>
      %dma_wait3A_57 = tpu.memref_squeeze %dma_wait3A : memref<1x!tpu.dma_semaphore, #tpu.memory_space<semaphore_mem>> -> memref<!tpu.dma_semaphore, #tpu.memory_space<semaphore_mem>>
      %dma_wait3A_58 = arith.constant 0 : i32
      %dma_wait3A_59 = arith.constant 0 : i32
      %dma_wait3A_60 = tpu.memref_slice %arg2[%select_n3A_55, %dma_wait3A_58, %dma_wait3A_59] : memref<4x4096x128xf32, #tpu.memory_space<vmem>> -> memref<1x4096x128xf32, #tpu.memory_space<vmem>>
      %dma_wait3A_61 = tpu.memref_squeeze %dma_wait3A_60 : memref<1x4096x128xf32, #tpu.memory_space<vmem>> -> memref<4096x128xf32, #tpu.memory_space<vmem>>
      %dma_wait3A_62 = arith.constant 0 : i32
      %dma_wait3A_63 = tpu.memref_slice %arg0[%mul3A_56, %dma_wait3A_62] : memref<100000x128xf32, #tpu.memory_space<hbm>> -> memref<4096x128xf32, #tpu.memory_space<hbm>>
      tpu.wait_dma2 semaphore(%dma_wait3A_57 : memref<!tpu.dma_semaphore, #tpu.memory_space<semaphore_mem>>) src(%dma_wait3A_63 : memref<4096x128xf32, #tpu.memory_space<hbm>>) dst(%dma_wait3A_61 : memref<4096x128xf32, #tpu.memory_space<vmem>>)
      %get3A = arith.index_cast %select_n3A_55 : i32 to index
      %get3A_64 = arith.constant 0 : index
      %get3A_65 = arith.constant 0 : index
      %get3A_66 = vector.load %arg2[%get3A, %get3A_64, %get3A_65] : memref<4x4096x128xf32, #tpu.memory_space<vmem>>, vector<1x4096x128xf32>
      %get3A_67 = vector.shape_cast %get3A_66 : vector<1x4096x128xf32> to vector<4096x128xf32>
      %dot_general3A = arith.constant dense<0.000000e+00> : vector<1x4096xf32>
      %dot_general3A_68 = tpu.matmul %convert_element_type3A, %get3A_67, %dot_general3A {dimension_numbers = #tpu.dot_dimension_numbers<[1], [1], [0], [0], [0, 0, 1, 0], [], []>, transpose_lhs_hint = false} : vector<1x128xf32>, vector<4096x128xf32>, vector<1x4096xf32> -> vector<1x4096xf32>
      %mul3A_69 = arith.constant 4096 : i32
      %mul3A_70 = arith.muli %scan3A_47, %mul3A_69 : i32
      %swap3A = arith.constant 0 : index
      %swap3A_71 = arith.index_cast %mul3A_70 : i32 to index
      %swap3A_72 = vector.load %arg1[%swap3A, %swap3A_71] : memref<1x69632xf32, #tpu.memory_space<vmem>>, vector<1x4096xf32>
      tpu.vector_store %arg1[%swap3A, %swap3A_71], %dot_general3A_68 {strides = array<i32>} : memref<1x69632xf32, #tpu.memory_space<vmem>>, vector<1x4096xf32>,
      %add3A_73 = arith.constant 4 : i32
      %add3A_74 = arith.addi %scan3A_47, %add3A_73 : i32
      %lt3A_75 = arith.constant 17 : i32
      %lt3A_76 = arith.cmpi slt, %add3A_74, %lt3A_75 : i32
      %convert_element_type3A_77 = arith.extui %lt3A_76 : i1 to i32
      %cond3A = arith.constant 0 : i32
      %cond3A_78 = arith.cmpi ne, %convert_element_type3A_77, %cond3A : i32
      scf.if %cond3A_78 {
        %add3A_79 = arith.constant 4 : i32
        %add3A_80 = arith.addi %scan3A_47, %add3A_79 : i32
        %mul3A_81 = arith.constant 4096 : i32
        %mul3A_82 = arith.muli %add3A_80, %mul3A_81 : i32
        %dma_start3A_83 = tpu.memref_slice %arg3[%select_n3A_55] : memref<4x!tpu.dma_semaphore, #tpu.memory_space<semaphore_mem>> -> memref<1x!tpu.dma_semaphore, #tpu.memory_space<semaphore_mem>>
        %dma_start3A_84 = tpu.memref_squeeze %dma_start3A_83 : memref<1x!tpu.dma_semaphore, #tpu.memory_space<semaphore_mem>> -> memref<!tpu.dma_semaphore, #tpu.memory_space<semaphore_mem>>
        %dma_start3A_85 = arith.constant 0 : i32
        %dma_start3A_86 = arith.constant 0 : i32
        %dma_start3A_87 = tpu.memref_slice %arg2[%select_n3A_55, %dma_start3A_85, %dma_start3A_86] : memref<4x4096x128xf32, #tpu.memory_space<vmem>> -> memref<1x4096x128xf32, #tpu.memory_space<vmem>>
        %dma_start3A_88 = tpu.memref_squeeze %dma_start3A_87 : memref<1x4096x128xf32, #tpu.memory_space<vmem>> -> memref<4096x128xf32, #tpu.memory_space<vmem>>
        %dma_start3A_89 = arith.constant 0 : i32
        %dma_start3A_90 = tpu.memref_slice %arg0[%mul3A_82, %dma_start3A_89] : memref<100000x128xf32, #tpu.memory_space<hbm>> -> memref<4096x128xf32, #tpu.memory_space<hbm>>
        tpu.enqueue_dma source(%dma_start3A_90 : memref<4096x128xf32, #tpu.memory_space<hbm>>) target(%dma_start3A_88 : memref<4096x128xf32, #tpu.memory_space<vmem>>) target_semaphore(%dma_start3A_84 : memref<!tpu.dma_semaphore, #tpu.memory_space<semaphore_mem>>)
      } else {
      }
    }
    %scan3A_46 = arith.constant 17 : i32
    return
  }
}

</mosaic_0001>

<sc_bundles>
// kernel: kernel.4.cloned.1.call-start
scs
__scs_entry_jumppad:
0x0: {  	(pc) =	sbr.rel $0x88, $3  }
0x1: {  	(tag) =	ssettag $0x0;
	lr =	simm.s32 $0x1  }
0x2: {  	[smem:$0x3FA0] =	sst lr;
	_ =	strace $0xD0000000  }
0x3: {  	_ = 	snop  }
0x4: {  	_ = 	snop  }
0x5: {  	_ = 	snop  }
0x6: {  	_ = 	snop  }
0x7: {  	_ = 	snop  }
__scs_overlays_trampoline_lowered:
0x8: {  	[smem:$0x3FAF] =	sst s0  }
0x9: {  	[smem:$0x3FB0] =	sst s1  }
0xa: {  	[smem:$0x3FB1] =	sst s2  }
0xb: {  	[smem:$0x3FB2] =	sst s3  }
0xc: {  	[smem:$0x3FB3] =	sst s4  }
0xd: {  	[smem:$0x3FB4] =	sst s5  }
0xe: {  	[smem:$0x3FB5] =	sst s6  }
0xf: {  	[smem:$0x3FB6] =	sst s7  }
0x10: {  	[smem:$0x3FB7] =	sst s8  }
0x11: {  	[smem:$0x3FB8] =	sst s9;
	s0 =	simm.s32 @!p0 $0x0  }
0x12: {  	s1 =	sld [smem:$0x3F9E];
	s0 =	simm.s32 @p0 $0x1  }
0x13: {  	[smem:$0x3FB9] =	sst s0;
	s0 =	simm.s32 @!p1 $0x0  }
0x14: {  	s2 =	sld [smem:$0x3F9D];
	s0 =	simm.s32 @p1 $0x1  }
0x15: {  	[smem:$0x3FBA] =	sst s0;
	s0 =	simm.s32 @!p2 $0x0  }
0x16: {  	s3 =	sld [smem:$0x3FDB];
	s0 =	simm.s32 @p2 $0x1  }
0x17: {  	s4 =	simm.s32 $0x1BF5;
	[smem:$0x3FBC] =	sst s0  }
0x18: {  	s0 =	sld [smem:$0x3F9F];
	_ =	swait.ge [sflag:s4], $0x0  }
0x19: {  	s7 =	sld [smem:$0x3FA0]  }
0x1a: {  	s8 =	sadd.s32 $0xFFFFE003, lr  }
0x1b: {  	s9 =	sadd.s32 $0xFFFFFEF7, lr;
	s5 =	simm.s32 $0xFFFFFFFF;
	p2 =	slt.u32 s8, $0xFFFFF086  }
0x1c: {  	p1 =	slt.u32 s9, $0xF7A;
	s5 =	simm.s32 @!p2 $0x0  }
0x1d: {  	s5 =	simm.s32 @p1 $0x1;
	p0 =	seq.s32 s7, s2  }
0x1e: {  	s7 =	smul.u32 @!p0 $0xF7A, s2;
	p2 =	seq.s32 @!p0 s5, $0x0  }
0x1f: {  	s9 =	smul.u32 $0xF7A, s1;
	s8 =	simm.s32 @!p0 $0x1BF5;
	p2 =	por !p2, p0  }
0x20: {  	[sflag:s8] =	ssyncset.s32 @!p0 $0xFFFFF086;
	s6 =	sadd.s32 @!p0 s3, s7;
	s7 =	simm.s32 @!p0 $0x108  }
0x21: {  	s3 =	sadd.s32 s3, s9;
	s6 =	sadd.s32 @!p0 $0x88, s6;
	s7 =	simm.s32 @p2 $0x1082  }
0x22: {  	[simem:s7], [sflag:s8] =	dma.local @!p0 [hbm:s6], $0xF7A  }
0x23: {  	s9 =	sor.u32 $0xD0000000, s2;
	s6 =	simm.s32 $0x108;
	_ =	swait.ge @!p0 [sflag:s8], $0x0  }
0x24: {  	s3 =	sadd.s32 $0x88, s3;
	s6 =	simm.s32 @!p1 $0x1082;
	[sflag:s4] =	ssyncset.s32 $0xFFFFF086  }
0x25: {  	[simem:s6], [sflag:s4] =	dma.local [hbm:s3], $0xF7A  }
0x26: {  	[smem:$0x3FA0] =	sst s1;
	(tag) =	ssettag s2;
	_ =	strace s9  }
0x27: {  	s1 =	sld [smem:$0x3FB0]  }
0x28: {  	s2 =	sld [smem:$0x3FB1]  }
0x29: {  	s4 =	sld [smem:$0x3FB3]  }
0x2a: {  	p0 =	seq.s32 s5, $0x0;
	s5 =	sld [smem:$0x3FB4]  }
0x2b: {  	s6 =	sld [smem:$0x3FB5]  }
0x2c: {  	s7 =	sld [smem:$0x3FB6]  }
0x2d: {  	s3 =	simm.s32 $0x108;
	s8 =	sld [smem:$0x3FB7]  }
0x2e: {  	s3 =	simm.s32 @!p0 $0x1082;
	s9 =	sld [smem:$0x3FB8]  }
0x2f: {  	lr =	sadd.s32 s0, s3;
	s0 =	sld [smem:$0x3FAF]  }
0x30: {  	s3 =	sld [smem:$0x3FB2]  }
0x31: {  	[smem:$0x3FBB] =	sst s10  }
0x32: {  	s10 =	sld [smem:$0x3FB9];
	_ =	sdelay $0x3  }
0x33: {  	p0 =	seq.s32 s10, $0x1;
	s10 =	sld [smem:$0x3FBB];
	_ =	sdelay $0x3  }
0x34: {  	[smem:$0x3FBB] =	sst s10  }
0x35: {  	s10 =	sld [smem:$0x3FBA];
	_ =	sdelay $0x3  }
0x36: {  	p1 =	seq.s32 s10, $0x1;
	s10 =	sld [smem:$0x3FBB];
	_ =	sdelay $0x3  }
0x37: {  	[smem:$0x3FBB] =	sst s10  }
0x38: {  	s10 =	sld [smem:$0x3FBC]  }
0x39: {  	_ = 	snop;
	(pc) =	sbr.ind lr, $3  }
0x3a: {  	_ = 	snop  }
0x3b: {  	_ = 	snop  }
0x3c: {  	p2 =	seq.s32 s10, $0x1;
	s10 =	sld [smem:$0x3FBB]  }
0x3d: {  	_ =	shalt  }
0x3e: {  	_ =	shalt  }
0x3f: {  	_ =	shalt  }
0x40: {  	_ =	shalt  }
0x41: {  	_ =	shalt  }
0x42: {  	_ =	shalt  }
0x43: {  	_ =	shalt  }
0x44: {  	_ =	shalt  }
0x45: {  	_ =	shalt  }
0x46: {  	_ =	shalt  }
0x47: {  	_ =	shalt  }
0x48: {  	_ =	shalt  }
0x49: {  	_ =	shalt  }
0x4a: {  	_ =	shalt  }
0x4b: {  	_ =	shalt  }
0x4c: {  	_ =	shalt  }
0x4d: {  	_ =	shalt  }
0x4e: {  	_ =	shalt  }
0x4f: {  	_ =	shalt  }
0x50: {  	_ =	shalt  }
0x51: {  	_ =	shalt  }
0x52: {  	_ =	shalt  }
0x53: {  	_ =	shalt  }
0x54: {  	_ =	shalt  }
0x55: {  	_ =	shalt  }
0x56: {  	_ =	shalt  }
0x57: {  	_ =	shalt  }
0x58: {  	_ =	shalt  }
0x59: {  	_ =	shalt  }
0x5a: {  	_ =	shalt  }
0x5b: {  	_ =	shalt  }
0x5c: {  	_ =	shalt  }
0x5d: {  	_ =	shalt  }
0x5e: {  	_ =	shalt  }
0x5f: {  	_ =	shalt  }
0x60: {  	_ =	shalt  }
0x61: {  	_ =	shalt  }
0x62: {  	_ =	shalt  }
0x63: {  	_ =	shalt  }
0x64: {  	_ =	shalt  }
0x65: {  	_ =	shalt  }
0x66: {  	_ =	shalt  }
0x67: {  	_ =	shalt  }
0x68: {  	_ =	shalt  }
0x69: {  	_ =	shalt  }
0x6a: {  	_ =	shalt  }
0x6b: {  	_ =	shalt  }
0x6c: {  	_ =	shalt  }
0x6d: {  	_ =	shalt  }
0x6e: {  	_ =	shalt  }
0x6f: {  	_ =	shalt  }
0x70: {  	_ =	shalt  }
0x71: {  	_ =	shalt  }
0x72: {  	_ =	shalt  }
0x73: {  	_ =	shalt  }
0x74: {  	_ =	shalt  }
0x75: {  	_ =	shalt  }
0x76: {  	_ =	shalt  }
0x77: {  	_ =	shalt  }
0x78: {  	_ =	shalt  }
0x79: {  	_ =	shalt  }
0x7a: {  	_ =	shalt  }
0x7b: {  	_ =	shalt  }
0x7c: {  	_ =	shalt  }
0x7d: {  	_ =	shalt  }
0x7e: {  	_ =	shalt  }
0x7f: {  	_ =	shalt  }
0x80: {  	_ =	shalt  }
0x81: {  	_ =	shalt  }
0x82: {  	_ =	shalt  }
0x83: {  	_ =	shalt  }
0x84: {  	_ =	shalt  }
0x85: {  	_ =	shalt  }
0x86: {  	_ =	shalt  }
0x87: {  	_ =	shalt  }
.Lfunc_end0:
.L_simem_size_0:
called_computation_lowered:
.L_overlay_start_0:
0x88: {  	s2 =	sld [smem:$0x3FD9]  }
0x89: {  	s3 =	sld [smem:$0x3FFE];
	_ =	sdelay $0x1  }
0x8a: {  	s1 =	srdreg.scid  }
0x8b: {  	s0 =	sand.u32 $0x1, s1  }
0x8c: {  	s17 =	sshll.u32 s0, $0xA;
	s2 =	sadd.s32 s3, s2  }
0x8d: {  	s2 =	sadd.s32 s2, s17  }
0x8e: {  	[smem:$0x3FC7] =	sst s2  }
0x8f: {  	_ = 	snop  }
0x90: {  	s2 =	sld [smem:$0x3FC9];
	(tm) =	ssettm $0x1  }
0x91: {  	s18 =	sld [smem:$0x3FFB];
	_ =	sdelay $0x3  }
0x92: {  	_ =	strace s18  }
0x93: {  	s3 =	sld [smem:$0x3FFC];
	_ =	sdelay $0x3  }
0x94: {  	_ =	strace s3  }
0x95: {  	s3 =	sld [smem:$0x3FFD];
	_ =	sdelay $0x3  }
0x96: {  	_ =	strace s3  }
0x97: {  	_ =	strace $0x8FFFFFFF  }
0x98: {  	s19 =	sld [smem:$0x3FDB];
	_ =	sdelay $0x1  }
0x99: {  	s4 =	simm.s32 $_scs_section_size  }
0x9a: {  	s5 =	simm.s32 $_size__tile_overlayer_lowered;
	s6 =	simm.s32 $_tile_overlayer_lowered  }
0x9b: {  	s22 =	simm.s32 $0x1BFF;
	s21 =	sshll.u32 s6, $0x1;
	s3 =	sadd.s32 s4, s19  }
0x9c: {  	s7 =	simm.s32 $0x0;
	s20 =	sshll.u32 s5, $0x1;
	s5 =	sadd.s32 s21, s3  }
0x9d: {  	[timem:s7], [sflag:s22] =	dma.local [hbm:s5], s20  }
0x9e: {  	_ =	swait.ge [sflag:s22], s20  }
0x9f: {  	s4 =	ssub.s32 $0x0, s20;
	[sflag:s22] =	ssyncset.done $0x0  }
0xa0: {  	[sflag:s22] =	ssyncadd.s32 s4;
	_ =	sdelay $0x1  }
0xa1: {  	s23 =	simm.s32 $0x1B8B  }
0xa2: {  	_ =	swait.ge [sflag:s23], $0x1  }
0xa3: {  	[sflag:s23] =	ssyncset.done $0x0  }
0xa4: {  	s25 =	simm.s32 $0x1B8E;
	s24 =	sld [smem:$0x3FFE];
	[sflag:s23] =	ssyncadd.s32 $0xFFFFFFFF  }
0xa5: {  	s26 =	simm.s32 $execute0_lowered;
	[smem:$0x3FD2] =	sst s25  }
0xa6: {  	s5 =	sshll.u32 s26, $0x1;
	_ =	strace $0x80000046;
	[dreg:$0x1] =	wrdreg $0xFFFFFFFF  }
0xa7: {  	s28 =	simm.s32 $_size_execute0_lowered;
	s3 =	sadd.s32 s3, s5;
	[dreg:$0x0] =	wrdreg $0x0  }
0xa8: {  	s5 =	sshll.u32 s28, $0x1;
	[dreg:$0x2] =	wrdreg s3  }
0xa9: {  	[dreg:$0x3] =	wrdreg s5  }
0xaa: {  	[dreg:$0x4] =	wrdreg $0xC0  }
0xab: {  	_ =	task [dreg:s7], $0x5FFFF  }
0xac: {  	[dreg:$0x1] =	wrdreg $0xFFFFFFFF  }
0xad: {  	[dreg:$0x0] =	wrdreg $0x60  }
0xae: {  	[dreg:$0x2] =	wrdreg s2  }
0xaf: {  	[dreg:$0x3] =	wrdreg s24  }
0xb0: {  	[dreg:$0x4] =	wrdreg $0x9  }
0xb1: {  	_ =	task.clear_ibuf [dreg:s7], $0x5FFFF;
	_ =	strace $0x90000046  }
0xb2: {  	s29 =	simm.s32 $0x9;
	_ =	strace $0x80000048  }
0xb3: {  	_ =	swait.ge [sflag:s29], $0x1  }
0xb4: {  	[sflag:s29] =	ssyncadd.s32 $0xFFFFFFFF  }
0xb5: {  	_ =	strace $0x90000048  }
0xb6: {  	_ =	sfence  }
0xb7: {  	s30 =	sld [smem:$0x0];
	_ =	sdelay $0x2  }
0xb8: {  	s31 =	sshll.u32 s1, $0xD;
	s1 =	sshrl.u32 s1, $0x2  }
0xb9: {  	s3 =	sand.u32 $0x4000, s31;
	s1 =	sadd.s32 s1, s30  }
0xba: {  	s0 =	sor.u32 s3, s0;
	s1 =	sshll.u32 s1, $0x11  }
0xbb: {  	s0 =	sor.u32 s1, s0  }
0xbc: {  	s0 =	sadd.s32 $0x8F2B, s0  }
0xbd: {  	[sflag:s0] =	ssyncadd.remote.s32 $0x1  }
0xbe: {  	_ =	sfence.sel $0xFFFF  }
0xbf: {  	[dreg:$0x0] =	wrdreg $0xFFFFFFFF;
	(pc) =	sbr.abs _section_cstart, $3  }
0xc0: {  	[dreg:$0x1] =	wrdreg $0xFFFFFFFF  }
0xc1: {  	_ =	task.clear_ibuf [dreg:s7], $0x2FFFF;
	_ =	strace $0x9FFFFFFF  }
0xc2: {  	(tm) =	ssettm $0x7FFFFFFF  }
0xc3: {  	_ =	shalt  }
tec
execute0_lowered:
.L_overlay_start_1:
0x0: {  	(tag) =	ssettag $0x1  }
0x1: {  	v0 =	vimm.f32 $1.500000000e+01;
	vm10 =	vcmask $0x300;
	v1 =	vimm.f32 $3.100000000e+01  }
0x2: {  	vm11 =	vcmask $0x704;
	vm12 =	vcmask $0xB08;
	vm13 =	vcmask $0xF0C  }
0x3: {  	vm14 =	vcmask $0x1310;
	vm9 =	vcmask $0x1714;
	vm8 =	vcmask $0x1B18  }
0x4: {  	vm7 =	vcmask $0x1F1C;
	vm6 =	vcmask $0x2320;
	vm5 =	vcmask $0x2724  }
0x5: {  	vm4 =	vcmask $0x2B28;
	vm3 =	vcmask $0x2F2C;
	vm2 =	vcmask $0x3330  }
0x6: {  	vm0 =	vcmask $0x3734;
	vm1 =	vcmask $0x3B38;
	v2 =	vimm.f32 $4.700000000e+01  }
0x7: {  	v3 =	vimm.f32 $6.300000000e+01;
	v4 =	vimm.f32 $7.900000000e+01;
	v5 =	vimm.f32 $9.500000000e+01  }
0x8: {  	v6 =	vimm.f32 $1.110000000e+02;
	v7 =	vimm.f32 $1.270000000e+02;
	v8 =	vlaneseq.u32  }
0x9: {  	v0 =	vsel vm10, $0x0, v0;
	v1 =	vsel vm10, $0x41800000, v1;
	v2 =	vsel vm10, $0x42000000, v2  }
0xa: {  	v3 =	vsel vm10, $0x42400000, v3;
	v4 =	vsel vm10, $0x42800000, v4;
	v5 =	vsel vm10, $0x42A00000, v5  }
0xb: {  	v6 =	vsel vm10, $0x42C00000, v6;
	v7 =	vsel vm10, $0x42E00000, v7;
	v0 =	vsel vm11, $0x3F800000, v0  }
0xc: {  	v1 =	vsel vm11, $0x41880000, v1;
	v2 =	vsel vm11, $0x42040000, v2;
	v3 =	vsel vm11, $0x42440000, v3  }
0xd: {  	v4 =	vsel vm11, $0x42820000, v4;
	v5 =	vsel vm11, $0x42A20000, v5;
	v6 =	vsel vm11, $0x42C20000, v6  }
0xe: {  	v7 =	vsel vm11, $0x42E20000, v7;
	v0 =	vsel vm12, $0x40000000, v0;
	v1 =	vsel vm12, $0x41900000, v1  }
0xf: {  	v2 =	vsel vm12, $0x42080000, v2;
	v3 =	vsel vm12, $0x42480000, v3;
	v4 =	vsel vm12, $0x42840000, v4  }
0x10: {  	v5 =	vsel vm12, $0x42A40000, v5;
	v6 =	vsel vm12, $0x42C40000, v6;
	v7 =	vsel vm12, $0x42E40000, v7  }
0x11: {  	v0 =	vsel vm13, $0x40400000, v0;
	v1 =	vsel vm13, $0x41980000, v1;
	v2 =	vsel vm13, $0x420C0000, v2  }
0x12: {  	v3 =	vsel vm13, $0x424C0000, v3;
	v4 =	vsel vm13, $0x42860000, v4;
	v5 =	vsel vm13, $0x42A60000, v5  }
0x13: {  	v6 =	vsel vm13, $0x42C60000, v6;
	v7 =	vsel vm13, $0x42E60000, v7;
	v0 =	vsel vm14, $0x40800000, v0  }
0x14: {  	v1 =	vsel vm14, $0x41A00000, v1;
	v2 =	vsel vm14, $0x42100000, v2;
	v3 =	vsel vm14, $0x42500000, v3  }
0x15: {  	v4 =	vsel vm14, $0x42880000, v4;
	v5 =	vsel vm14, $0x42A80000, v5;
	v6 =	vsel vm14, $0x42C80000, v6  }
0x16: {  	v7 =	vsel vm14, $0x42E80000, v7;
	v0 =	vsel vm9, $0x40A00000, v0;
	v1 =	vsel vm9, $0x41A80000, v1  }
0x17: {  	v2 =	vsel vm9, $0x42140000, v2;
	v3 =	vsel vm9, $0x42540000, v3;
	v4 =	vsel vm9, $0x428A0000, v4  }
0x18: {  	v5 =	vsel vm9, $0x42AA0000, v5;
	v6 =	vsel vm9, $0x42CA0000, v6;
	v7 =	vsel vm9, $0x42EA0000, v7  }
0x19: {  	v0 =	vsel vm8, $0x40C00000, v0;
	v1 =	vsel vm8, $0x41B00000, v1;
	v2 =	vsel vm8, $0x42180000, v2  }
0x1a: {  	v3 =	vsel vm8, $0x42580000, v3;
	v4 =	vsel vm8, $0x428C0000, v4;
	v5 =	vsel vm8, $0x42AC0000, v5  }
0x1b: {  	v6 =	vsel vm8, $0x42CC0000, v6;
	v7 =	vsel vm8, $0x42EC0000, v7;
	v0 =	vsel vm7, $0x40E00000, v0  }
0x1c: {  	v1 =	vsel vm7, $0x41B80000, v1;
	v2 =	vsel vm7, $0x421C0000, v2;
	v3 =	vsel vm7, $0x425C0000, v3  }
0x1d: {  	v4 =	vsel vm7, $0x428E0000, v4;
	v5 =	vsel vm7, $0x42AE0000, v5;
	v6 =	vsel vm7, $0x42CE0000, v6  }
0x1e: {  	v7 =	vsel vm7, $0x42EE0000, v7;
	v0 =	vsel vm6, $0x41000000, v0;
	v1 =	vsel vm6, $0x41C00000, v1  }
0x1f: {  	v2 =	vsel vm6, $0x42200000, v2;
	v3 =	vsel vm6, $0x42600000, v3;
	v4 =	vsel vm6, $0x42900000, v4  }
0x20: {  	v5 =	vsel vm6, $0x42B00000, v5;
	v6 =	vsel vm6, $0x42D00000, v6;
	v7 =	vsel vm6, $0x42F00000, v7  }
0x21: {  	v0 =	vsel vm5, $0x41100000, v0;
	v1 =	vsel vm5, $0x41C80000, v1;
	v2 =	vsel vm5, $0x42240000, v2  }
0x22: {  	v3 =	vsel vm5, $0x42640000, v3;
	v4 =	vsel vm5, $0x42920000, v4;
	v5 =	vsel vm5, $0x42B20000, v5  }
0x23: {  	v6 =	vsel vm5, $0x42D20000, v6;
	v7 =	vsel vm5, $0x42F20000, v7;
	v0 =	vsel vm4, $0x41200000, v0  }
0x24: {  	v1 =	vsel vm4, $0x41D00000, v1;
	v2 =	vsel vm4, $0x42280000, v2;
	v3 =	vsel vm4, $0x42680000, v3  }
0x25: {  	v4 =	vsel vm4, $0x42940000, v4;
	v5 =	vsel vm4, $0x42B40000, v5;
	v6 =	vsel vm4, $0x42D40000, v6  }
0x26: {  	v7 =	vsel vm4, $0x42F40000, v7;
	v0 =	vsel vm3, $0x41300000, v0;
	v1 =	vsel vm3, $0x41D80000, v1  }
0x27: {  	s0 =	rddreg [dreg:$0x0];
	v2 =	vsel vm3, $0x422C0000, v2;
	v3 =	vsel vm3, $0x426C0000, v3;
	v4 =	vsel vm3, $0x42960000, v4  }
0x28: {  	s4 =	rddreg [dreg:$0x1];
	v5 =	vsel vm3, $0x42B60000, v5;
	v6 =	vsel vm3, $0x42D60000, v6;
	v7 =	vsel vm3, $0x42F60000, v7  }
0x29: {  	s1 =	rddreg [dreg:$0x2];
	v0 =	vsel vm2, $0x41400000, v0;
	v1 =	vsel vm2, $0x41E00000, v1;
	v2 =	vsel vm2, $0x42300000, v2  }
0x2a: {  	s3 =	simm.s32 $0x0;
	s5 =	srdreg.scid;
	s2 =	stileid.u32;
	v3 =	vsel vm2, $0x42700000, v3;
	v4 =	vsel vm2, $0x42980000, v4;
	v5 =	vsel vm2, $0x42B80000, v5  }
0x2b: {  	s10 =	simm.s32 $0x0;
	[smem:$0x7FF] =	sst s3;
	s5 =	sand.u32 $0x1, s5;
	v6 =	vsel vm2, $0x42D80000, v6;
	v7 =	vsel vm2, $0x42F80000, v7;
	v0 =	vsel vm0, $0x41500000, v0  }
0x2c: {  	s6 =	sshll.u32 s2, $0x1;
	s4 =	sadd.s32 $0x400, s4;
	s7 =	ssub.s32 $0x2, s5;
	v1 =	vsel vm0, $0x41E80000, v1;
	v2 =	vsel vm0, $0x42340000, v2;
	v3 =	vsel vm0, $0x42740000, v3  }
0x2d: {  	_ =	strace $0x80000047;
	s6 =	sor.u32 s5, s6;
	s29 =	sshrl.u32 s7, $0x1;
	v4 =	vsel vm0, $0x429A0000, v4;
	v5 =	vsel vm0, $0x42BA0000, v5;
	v6 =	vsel vm0, $0x42DA0000, v6  }
0x2e: {  	s8 =	sshll.u32 s6, $0xC;
	s30 =	ssub.s32 $0x76, s6;
	s6 =	sshll.u32 s6, $0x8;
	v7 =	vsel vm0, $0x42FA0000, v7;
	v0 =	vsel vm1, $0x41600000, v0;
	v1 =	vsel vm1, $0x41F00000, v1  }
0x2f: {  	s9 =	ssub.s32 s7, s29;
	s31 =	sadd.s32 s8, s0;
	s5 =	sshrl.u32 s30, $0x5;
	v2 =	vsel vm1, $0x42380000, v2;
	v3 =	vsel vm1, $0x42780000, v3;
	v4 =	vsel vm1, $0x429C0000, v4  }
0x30: {  	s7 =	sadd.s32 $0x110000, s31;
	s8 =	smax.u32 s9, $0x1;
	s9 =	simm.s32 $0x3;
	v5 =	vsel vm1, $0x42BC0000, v5;
	v6 =	vsel vm1, $0x42DC0000, v6;
	v7 =	vsel vm1, $0x42FC0000, v7  }
.LBB2_1:
0x31: {  	[tilespmem:s3], [sflag:$0x1] =	stream.linear.gather [hbm4b:s7+s3], $0x8000, $0x38;
	[tilespmem:$0x10200] =	vst v63  }
0x32: {  	p0 =	por $0x0, $0x0;
	s11 =	simm.s32 $0x0  }
.LBB2_2:
0x33: {  	s13 =	sand.u32 $0x1, s11;
	p2 =	sge.u32 s11, s5  }
0x34: {  	p1 =	sne.s32 @!p2 s13, $0x0  }
0x35: {  	s12 =	sadd.s32 $0x1, s11;
	p3 =	por p1, p2  }
0x36: {  	s14 =	sshll.u32 @!p3 s12, $0xD  }
0x37: {  	s14 =	sor.u32 @!p3 s6, s14  }
0x38: {  	p4 =	slt.s32 @!p3 s14, $0x75A0  }
0x39: {  	p1 =	por @!p2 !p4, p1  }
0x3a: {  	p1 =	por !p1, p2  }
0x3b: {  	s14 =	simm.s32 @!p1 $0x75A0  }
0x3c: {  	s14 =	sshll.u32 @!p3 s14, $0x7  }
0x3d: {  	s14 =	sadd.s32 @!p3 $0x880000, s14  }
0x3e: {  	s15 =	simm.s32 @!p3 $0x0;
	s14 =	sshrl.u32 @!p3 s14, $0x3  }
0x3f: {  	s16 =	simm.s32 @!p3 $0x8000;
	p1 =	seq.s32 s13, $0x1;
	s14 =	sadd.s32 @!p3 s0, s14  }
0x40: {  	[tilespmem:s16], [sflag:$0x2] =	stream.linear.gather @!p3 [hbm4b:s14+s15], $0x8000, $0x38;
	[tilespmem:$0x10200] =	vst v63  }
0x41: {  	p3 =	por !p1, p2  }
0x42: {  	s14 =	sshll.u32 @!p3 s12, $0xD  }
0x43: {  	s14 =	sor.u32 @!p3 s6, s14  }
0x44: {  	p4 =	slt.s32 @!p3 s14, $0x75A0  }
0x45: {  	p4 =	por @!p2 !p4, !p1  }
0x46: {  	p2 =	por !p4, p2  }
0x47: {  	s14 =	simm.s32 @!p2 $0x75A0  }
0x48: {  	s14 =	sshll.u32 @!p3 s14, $0x7  }
0x49: {  	s14 =	sadd.s32 @!p3 $0x880000, s14  }
0x4a: {  	s14 =	sshrl.u32 @!p3 s14, $0x3  }
0x4b: {  	s15 =	simm.s32 @!p3 $0x0;
	p2 =	sne.s32 s13, $0x0;
	s14 =	sadd.s32 @!p3 s0, s14  }
0x4c: {  	[tilespmem:s15], [sflag:$0x1] =	stream.linear.gather @!p3 [hbm4b:s14+s15], $0x8000, $0x38;
	[tilespmem:$0x10200] =	vst v63  }
0x4d: {  	s14 =	simm.s32 @!p2 $0x1  }
0x4e: {  	_ =	swait.ge @!p2 [sflag:s14], $0x8000  }
0x4f: {  	[sflag:s14] =	ssyncset.done @!p2 $0x0  }
0x50: {  	s16 =	simm.s32 @p1 $0x2;
	s15 =	simm.s32 $0x1;
	[sflag:s14] =	ssyncadd.s32 @!p2 $0xFFFF8000  }
0x51: {  	s13 =	sshll.u32 s13, $0x8;
	s15 =	simm.s32 @!p0 $0x0;
	_ =	swait.ge @p1 [sflag:s16], $0x8000  }
0x52: {  	s31 =	sshll.u32 s15, $0xF;
	s15 =	simm.s32 $0x0;
	[sflag:s16] =	ssyncset.done @p1 $0x0  }
0x53: {  	s14 =	sor.u32 $0x40, s31;
	[sflag:s16] =	ssyncadd.s32 @p1 $0xFFFF8000;
	s16 =	simm.s32 $0x0  }
.LBB2_3:
0x54: {  	v9 =	vld [tilespmem:s14+$0xFFFFFFC0]  }
0x55: {  	v10 =	vld [tilespmem:s14+$0xFFFFFFD0]  }
0x56: {  	v11 =	vld [tilespmem:s14+$0xFFFFFFE0]  }
0x57: {  	v12 =	vld [tilespmem:s14+$0xFFFFFFF0]  }
0x58: {  	v13 =	vld [tilespmem:s14+$0x0]  }
0x59: {  	v14 =	vld [tilespmem:s14+$0x10]  }
0x5a: {  	v15 =	vld [tilespmem:s14+$0x20]  }
0x5b: {  	v16 =	vld [tilespmem:s14+$0x30];
	_ =	sdelay $0x1  }
0x5c: {  	s17 =	sadd.s32 $0x80, s14;
	v9 =	vmul.f32 v0, v9;
	v10 =	vmul.f32 v1, v10  }
0x5d: {  	v17 =	vld [tilespmem:s17+$0xFFFFFFC0];
	v11 =	vmul.f32 v2, v11;
	v12 =	vmul.f32 v3, v12  }
0x5e: {  	v18 =	vld [tilespmem:s17+$0xFFFFFFD0];
	v13 =	vmul.f32 v4, v13;
	v14 =	vmul.f32 v5, v14  }
0x5f: {  	v19 =	vld [tilespmem:s17+$0xFFFFFFE0];
	v15 =	vmul.f32 v6, v15;
	v16 =	vmul.f32 v7, v16  }
0x60: {  	v20 =	vld [tilespmem:s17+$0xFFFFFFF0];
	v9 =	vadd.f32 v10, v9;
	v10 =	vadd.f32 v12, v11  }
0x61: {  	v21 =	vld [tilespmem:s17+$0x0];
	v12 =	vadd.f32 v14, v13;
	v13 =	vadd.f32 v16, v15  }
0x62: {  	v11 =	vld [tilespmem:s17+$0x20]  }
0x63: {  	v14 =	vld [tilespmem:s17+$0x30];
	v9 =	vadd.f32 v10, v9;
	v10 =	vadd.f32 v13, v12  }
0x64: {  	v22 =	vld [tilespmem:s17+$0x10];
	s17 =	sadd.s32 $0x80, s17  }
0x65: {  	v15 =	vmul.f32 v1, v18;
	v16 =	vld [tilespmem:s17+$0xFFFFFFC0];
	v9 =	vadd.f32 v10, v9  }
0x66: {  	v18 =	vmul.f32 v2, v19;
	v19 =	vmul.f32 v3, v20;
	v20 =	vld [tilespmem:s17+$0x0]  }
0x67: {  	v12 =	vld [tilespmem:s17+$0xFFFFFFD0];
	v10 =	vmul.f32 v0, v17;
	(xrf2) =	vadd.scan.msk.f32 $0xffff, v9  }
0x68: {  	v13 =	vld [tilespmem:s17+$0xFFFFFFE0];
	v11 =	vmul.f32 v6, v11;
	v14 =	vmul.f32 v7, v14  }
0x69: {  	v17 =	vld [tilespmem:s17+$0xFFFFFFF0];
	v9 =	vmul.f32 v4, v21;
	v21 =	vmul.f32 v5, v22  }
0x6a: {  	v18 =	vadd.f32 v19, v18;
	v22 =	vld [tilespmem:s17+$0x10];
	v10 =	vadd.f32 v15, v10  }
0x6b: {  	v23 =	vld [tilespmem:s17+$0x20];
	v11 =	vadd.f32 v14, v11;
	v9 =	vadd.f32 v21, v9  }
0x6c: {  	s22 =	sadd.s32 $0x80, s17;
	v19 =	vld [tilespmem:s17+$0x30]  }
0x6d: {  	v15 =	vld [tilespmem:s22+$0xFFFFFFC0];
	v20 =	vmul.f32 v4, v20;
	v14 =	vadd.f32 v18, v10;
	v9 =	vadd.f32 v11, v9  }
0x6e: {  	v10 =	vld [tilespmem:s22+$0xFFFFFFD0];
	v18 =	vmul.f32 v1, v12;
	v21 =	vmul.f32 v2, v13  }
0x6f: {  	v12 =	vld [tilespmem:s22+$0xFFFFFFF0];
	v24 =	vmul.f32 v3, v17;
	v22 =	vmul.f32 v5, v22;
	v25 =	vadd.f32 v9, v14  }
0x70: {  	v16 =	vmul.f32 v0, v16;
	v23 =	vmul.f32 v6, v23;
	v13 =	vld [tilespmem:s22+$0x0]  }
0x71: {  	v26 =	vmul.f32 v7, v19;
	v11 =	vld [tilespmem:s22+$0xFFFFFFE0];
	v19 =	vadd.f32 v24, v21;
	v21 =	vadd.f32 v22, v20;
	v20, _, _ =	vpop (xrf2);
	(xrf2) =	vadd.scan.msk.f32 $0xffff, v25  }
0x72: {  	s21 =	simm.s32 $0x1;
	v17 =	vadd.f32 v18, v16;
	v16 =	vld [tilespmem:s22+$0x20]  }
0x73: {  	s19 =	simm.s32 $0x2;
	s20 =	simm.s32 $0x3;
	s17 =	sshll.u32 s16, $0x4;
	v14 =	vld [tilespmem:s22+$0x10];
	v22 =	vadd.f32 v26, v23  }
0x74: {  	s23 =	simm.s32 $0x4;
	s18 =	sadd.s32 s13, s17;
	v18 =	vld [tilespmem:s22+$0x30];
	v9 =	vimm.f32 $0.0e+00;
	s22 =	sadd.s32 $0x80, s22;
	v23 =	vmov s15;
	v20 =	vbroadcast v20, $0xF  }
.LBB2_4:
0x75: {  	v24 =	vld [tilespmem:s22+$0xFFFFFFC0];
	p1 =	sne.s32 s23, $0xF;
	v17 =	vadd.f32 v19, v17;
	v19 =	vadd.f32 v22, v21;
	vm0 =	veq.s32 v23, v8;
	s24 =	smov.u32 s19;
	s19 =	smov.u32 s20  }
0x76: {  	v15 =	vmul.f32 v0, v15;
	v21 =	vmul.f32 v1, v10;
	s20 =	smov.u32 s23;
	v10 =	vld [tilespmem:s22+$0xFFFFFFD0];
	v9 =	vsel vm0, v20, v9  }
0x77: {  	v22 =	vmul.f32 v3, v12;
	v20 =	vmul.f32 v2, v11;
	v11 =	vld [tilespmem:s22+$0xFFFFFFE0];
	v17 =	vadd.f32 v19, v17  }
.Ltmp0:
0x78: {  	v23 =	vmul.f32 v4, v13;
	v25 =	vmul.f32 v5, v14;
	v12 =	vld [tilespmem:s22+$0xFFFFFFF0];
	(pc) =	sbr.rel @p1 .LBB2_4-.Ltmp0, $4  }
0x79: {  	v26 =	vmul.f32 v6, v16;
	v13 =	vld [tilespmem:s22+$0x0];
	v18 =	vmul.f32 v7, v18;
	(xrf2) =	vadd.scan.msk.f32 $0xffff, v17  }
0x7a: {  	v19 =	vadd.f32 v22, v20;
	v17 =	vadd.f32 v21, v15;
	v14 =	vld [tilespmem:s22+$0x10];
	v15 =	vmov v24  }
0x7b: {  	v21 =	vadd.f32 v25, v23;
	v16 =	vld [tilespmem:s22+$0x20];
	v22 =	vadd.f32 v18, v26;
	v20, _, _ =	vpop (xrf2)  }
0x7c: {  	s23 =	sadd.s32 $0x1, s23;
	v23 =	vmov s21;
	s21 =	smov.u32 s24;
	v18 =	vld [tilespmem:s22+$0x30];
	s22 =	sadd.s32 $0x80, s22;
	v20 =	vbroadcast v20, $0xF  }
0x7d: {  	_ = 	snop  }
0x7e: {  	v15 =	vmul.f32 v0, v15;
	v10 =	vmul.f32 v1, v10  }
0x7f: {  	v11 =	vmul.f32 v2, v11;
	v12 =	vmul.f32 v3, v12  }
0x80: {  	v13 =	vmul.f32 v4, v13;
	v14 =	vmul.f32 v5, v14  }
0x81: {  	v16 =	vmul.f32 v6, v16;
	v18 =	vmul.f32 v7, v18  }
0x82: {  	v10 =	vadd.f32 v10, v15;
	v11 =	vadd.f32 v12, v11  }
0x83: {  	v58 =	vadd.f32 v14, v13;
	v59 =	vadd.f32 v18, v16  }
0x84: {  	v60 =	vadd.f32 v19, v17;
	v61 =	vadd.f32 v22, v21  }
0x85: {  	v10 =	vadd.f32 v11, v10;
	v11 =	vadd.f32 v59, v58  }
0x86: {  	v62 =	vadd.f32 v61, v60  }
0x87: {  	v10 =	vadd.f32 v11, v10  }
0x88: {  	(xrf2) =	vadd.scan.msk.f32 $0xffff, v62  }
0x89: {  	(xrf2) =	vadd.scan.msk.f32 $0xffff, v10;
	_ =	sdelay $0x5  }
0x8a: {  	v11 =	vmov s21  }
0x8b: {  	v10, _, _ =	vpop (xrf2)  }
0x8c: {  	vm0 =	veq.s32 v23, v8;
	s16 =	sadd.s32 $0x1, s16;
	v10 =	vbroadcast v10, $0xF  }
0x8d: {  	v9 =	vsel vm0, v20, v9;
	p1 =	sne.s32 s16, $0x10;
	vm13 =	veq.s32 v11, v8;
	v11, _, _ =	vpop (xrf2)  }
.Ltmp1:
0x8e: {  	v11 =	vbroadcast v11, $0xF;
	v9 =	vsel vm13, v10, v9;
	v10 =	vmov s19;
	v63, _, _ =	vpop (xrf2);
	(pc) =	sbr.rel @p1 .LBB2_3-.Ltmp1, $4  }
0x8f: {  	vm14 =	veq.s32 v10, v8;
	v10 =	vmov s20;
	v12 =	vbroadcast v63, $0xF  }
0x90: {  	s18 =	sand.u32 $0x180, s18;
	s17 =	sand.u32 $0x70, s17;
	v9 =	vsel vm14, v11, v9;
	vm15 =	veq.s32 v10, v8  }
0x91: {  	s17 =	sor.u32 s17, s18;
	v9 =	vsel vm15, v12, v9  }
0x92: {  	s14 =	sadd.s32 $0x800, s14;
	[tilespmem:s17+$0x10000] =	vst v9  }
0x93: {  	s14 =	sshll.u32 s11, $0xD  }
0x94: {  	s14 =	sor.u32 s6, s14  }
0x95: {  	p1 =	slt.s32 s14, $0x75A0  }
0x96: {  	s14 =	simm.s32 @!p1 $0x75A0  }
0x97: {  	p1 =	sne.s32 s11, s5;
	s14 =	sshrl.u32 s14, $0x3  }
.Ltmp2:
0x98: {  	s13 =	sor.u32 $0x10000, s13;
	s14 =	sadd.s32 s4, s14;
	(pc) =	sbr.rel @p1 .LBB2_2-.Ltmp2, $4  }
0x99: {  	[hbm4b:s14+s3] =	stream.linear.scatter [tilespmem:s13], [sflag:$0x3], $0x100, $0x38;
	[tilespmem:$0x10200] =	vst v63  }
0x9a: {  	_ =	swait.ge [sflag:s9], $0x100  }
0x9b: {  	[sflag:s9] =	ssyncset.done $0x0  }
0x9c: {  	p0 =	por !p0, !p0;
	s11 =	smov.u32 s12;
	[sflag:s9] =	ssyncadd.s32 $0xFFFFFF00  }
0x9d: {  	s10 =	sadd.s32 $0x1, s10  }
0x9e: {  	p0 =	sne.s32 s10, s8  }
.Ltmp3:
0x9f: {  	_ = 	snop;
	(pc) =	sbr.rel @p0 .LBB2_1-.Ltmp3, $1  }
0xa0: {  	_ =	sdelay $0x3  }
0xa1: {  	_ =	sfence.sel $0x180000  }
0xa2: {  	[bflag:$0x0] =	sbarrier.arrive $0xFFFF  }
0xa3: {  	p0 =	sne.s32 s2, $0x0;
	_ =	strace $0x90000047  }
0xa4: {  	s0 =	sadd.s32 @!p0 $0x100000, s1;
	[bflag:$0x2] =	sbarrier.arrive $0xFFFF  }
0xa5: {  	[sflag:s0] =	ssyncadd.tile.s32 @!p0 $0x1;
	_ =	shalt  }
.Lfunc_end2:
_tile_overlayer_lowered:
.L_overlay_start_2:
0xa6: {  	(tag) =	ssettag $0x2  }
0xa7: {  	s0 =	rddreg [dreg:$0x0];
	s2 =	stileid.u32  }
0xa8: {  	s1 =	rddreg [dreg:$0x1];
	p0 =	sne.s32 s2, $0x0  }
0xa9: {  	s3 =	rddreg [dreg:$0x2];
	[bflag:$0x3] =	sbarrier.arrive $0xFFFF;
	s2 =	simm.s32 @!p0 $0x1C03  }
0xaa: {  	[timem:s3], [sflag:s2] =	dma.local @!p0 [hbm:s0], s1  }
0xab: {  	s0 =	simm.s32 @!p0 $0x3  }
0xac: {  	_ =	swait.ge @!p0 [sflag:s0], s1  }
0xad: {  	s1 =	ssub.s32 @!p0 $0x0, s1;
	[sflag:s0] =	ssyncset.done @!p0 $0x0  }
0xae: {  	[sflag:s0] =	ssyncadd.s32 @!p0 s1  }
0xaf: {  	[bflag:$0x3] =	sbarrier.arrive $0xFFFF  }
0xb0: {  	_ =	shalt  }

</sc_bundles>
